<compile_context>
chip_gen: v7x
topology: tpu7x:2x2x1
jax: 0.10.2.dev20260603
libtpu: 0.0.44.dev20260713+nightly
codegen_flags: <defaults>
</compile_context>

<pallas_src>
import functools

import jax
import jax.numpy as jnp
from jax import lax
from jax.experimental import pallas as pl
from jax.experimental.pallas import tpu as pltpu
from jax.experimental.pallas import tpu_sc as plsc




def _proj_body(tl_ref, ti_ref, wt_ref, wb_ref, b_ref, out_ref):
    acc = jnp.dot(tl_ref[...], wt_ref[...], preferred_element_type=jnp.float32)
    acc += jnp.dot(ti_ref[...], wb_ref[...], preferred_element_type=jnp.float32)
    out_ref[...] = acc + b_ref[...]


def _project_tables(table_lang, table_img, W, b):
    V, d_lang = table_lang.shape
    d_img = table_img.shape[1]
    d_out = W.shape[1]
    w_top = W[:d_lang]
    w_bot = W[d_lang:]
    bv = 4096
    grid_n = pl.cdiv(V, bv)
    return pl.pallas_call(
        _proj_body,
        grid=(grid_n,),
        in_specs=[
            pl.BlockSpec((bv, d_lang), lambda i: (i, 0)),
            pl.BlockSpec((bv, d_img), lambda i: (i, 0)),
            pl.BlockSpec((d_lang, d_out), lambda i: (0, 0)),
            pl.BlockSpec((d_img, d_out), lambda i: (0, 0)),
            pl.BlockSpec((1, d_out), lambda i: (0, 0)),
        ],
        out_specs=pl.BlockSpec((bv, d_out), lambda i: (i, 0)),
        out_shape=jax.ShapeDtypeStruct((grid_n * bv, d_out), jnp.float32),
    )(table_lang, table_img, w_top, w_bot, b.reshape(1, d_out))




@functools.lru_cache(maxsize=None)
def _make_gather(V, D, N):
    info = plsc.get_sparse_core_info()
    nw = info.num_cores * info.num_subcores
    per_w = N // nw
    nbuf = 4
    ch = 320
    while ch > 8 and (per_w % (ch * nbuf) or ch % 8):
        ch -= 8
    n_groups = per_w // ch // nbuf
    mesh = plsc.VectorSubcoreMesh(core_axis_name="c", subcore_axis_name="s")

    @functools.partial(
        pl.kernel,
        out_type=jax.ShapeDtypeStruct((N, D), jnp.float32),
        mesh=mesh,
        scratch_types=[
            pltpu.VMEM((per_w,), jnp.int32),
            [pltpu.VMEM((ch, D), jnp.float32) for _ in range(nbuf)],
            [pltpu.SemaphoreType.DMA for _ in range(nbuf)],
            [pltpu.SemaphoreType.DMA for _ in range(nbuf)],
        ],
        compiler_params=pltpu.CompilerParams(use_tc_tiling_on_sc=False),
    )
    def gather(idx_hbm, t_hbm, out_hbm, idx_v, bufs, gsems, ssems):
        wid = lax.axis_index("s") * info.num_cores + lax.axis_index("c")
        wbase = wid * per_w
        pltpu.sync_copy(idx_hbm.at[pl.ds(wbase, per_w)], idx_v)

        def gather_desc(c, b):
            src = t_hbm.at[idx_v.at[pl.ds(c * ch, ch)]]
            return pltpu.make_async_copy(src, bufs[b], gsems[b])

        def store_desc(c, b):
            dst = out_hbm.at[pl.ds(wbase + c * ch, ch)]
            return pltpu.make_async_copy(bufs[b], dst, ssems[b])

        def group(g, carry):
            c0 = g * nbuf
            for b in range(nbuf):

                @pl.when(g > 0)
                def _(b=b):
                    store_desc(c0 - nbuf + b, b).wait()

                gather_desc(c0 + b, b).start()
            for b in range(nbuf):
                gather_desc(c0 + b, b).wait()
                store_desc(c0 + b, b).start()
            return carry

        lax.fori_loop(0, n_groups, group, 0)
        for b in range(nbuf):
            store_desc((n_groups - 1) * nbuf + b, b).wait()

    return gather


def kernel(x, table_lang, table_img, W, b):
    B, L = x.shape
    d_out = W.shape[1]
    proj = _project_tables(table_lang, table_img, W, b)
    idx = x.reshape(B * L).astype(jnp.int32)
    gather = _make_gather(proj.shape[0], d_out, B * L)
    out = gather(idx, proj).reshape(B, L, d_out)
    mask = x > 0
    return (out, mask)

# --- scband reference (transcript-rebuilt; emitter-appended) ---
"""Pipeline reference for scband-lruembedding-61014305407394 (READ-ONLY COPY).

The authoritative reference and input builder live on the scoring server;
editing this copy changes nothing except your own understanding.
"""

import jax, jax.numpy as jnp
import numpy as np

VOCAB = 100001  # includes padding row 0
D_LANG = 128
D_IMG = 128
D_OUT = 64
B = 4096
L = 200


def setup_inputs(seed: int = 0) -> dict:
    key = jax.random.key(seed)
    k1, k2, k3, k4 = jax.random.split(key, 4)
    x = jax.random.randint(k1, (B, L), 0, VOCAB)
    table_lang = jax.random.normal(k2, (VOCAB, D_LANG), dtype=jnp.float32) * 0.02
    table_lang = table_lang.at[0].set(0.0)  # padding_idx=0
    table_img = jax.random.normal(k3, (VOCAB, D_IMG), dtype=jnp.float32) * 0.02
    table_img = table_img.at[0].set(0.0)  # padding_idx=0
    W = jax.random.normal(k4, (D_LANG + D_IMG, D_OUT), dtype=jnp.float32) * 0.02
    b = jnp.zeros((D_OUT,), dtype=jnp.float32)
    return {"x": x, "table_lang": table_lang, "table_img": table_img, "W": W, "b": b}


def reference(x, table_lang, table_img, W, b):
    # mask = x > 0 (padding mask)
    mask = x > 0
    # two embedding lookups (gather)
    x_lang = jnp.take(table_lang, x, axis=0)  # [B, L, D_LANG]
    x_img = jnp.take(table_img, x, axis=0)    # [B, L, D_IMG]
    # concat + linear projector
    h = jnp.concatenate([x_lang, x_img], axis=-1)  # [B, L, D_LANG+D_IMG]
    out = jnp.dot(h, W) + b                        # [B, L, D_OUT]
    # dropout is identity in eval / deterministic mode
    return (out, mask)

if __name__ == "__main__":
    import jax
    _d = setup_inputs()
    print(jax.jit(kernel)(*tuple(_d.values())))

</pallas_src>

<mosaic_0001>
#map = affine_map<(d0, d1) -> (0)>
#map1 = affine_map<(d0, d1) -> (0, 0)>
module attributes {stable_mosaic.version = 14 : i64} {
  func.func @gather(%arg0: i32, %arg1: i32, %arg2: memref<819200xi32, #tpu.memory_space<hbm>>, %arg3: memref<102400x64xf32, #tpu.memory_space<hbm>>, %arg4: memref<819200x64xf32, #tpu.memory_space<hbm>>, %arg5: memref<25600xi32, #tpu.memory_space<vmem>>, %arg6: memref<320x64xf32, #tpu.memory_space<vmem>>, %arg7: memref<320x64xf32, #tpu.memory_space<vmem>>, %arg8: memref<320x64xf32, #tpu.memory_space<vmem>>, %arg9: memref<320x64xf32, #tpu.memory_space<vmem>>, %arg10: memref<!tpu.dma_semaphore, #tpu.memory_space<semaphore_mem>>, %arg11: memref<!tpu.dma_semaphore, #tpu.memory_space<semaphore_mem>>, %arg12: memref<!tpu.dma_semaphore, #tpu.memory_space<semaphore_mem>>, %arg13: memref<!tpu.dma_semaphore, #tpu.memory_space<semaphore_mem>>, %arg14: memref<!tpu.dma_semaphore, #tpu.memory_space<semaphore_mem>>, %arg15: memref<!tpu.dma_semaphore, #tpu.memory_space<semaphore_mem>>, %arg16: memref<!tpu.dma_semaphore, #tpu.memory_space<semaphore_mem>>, %arg17: memref<!tpu.dma_semaphore, #tpu.memory_space<semaphore_mem>>) attributes {dimension_semantics = [#tpu.dimension_semantics<core_parallel>, #tpu.dimension_semantics<subcore_parallel>], iteration_bounds = array<i64: 2, 16>, scalar_prefetch = 0 : i64, scratch_operands = 13 : i64, tpu.core_type = #tpu.core_type<sc_vector_subcore>, window_params = [{transform_indices = #map}, {transform_indices = #map1}, {transform_indices = #map1}]} {
    %mul3A = arith.constant 2 : i32
    %mul3A_0 = arith.muli %arg1, %mul3A : i32
    %add3A = arith.addi %mul3A_0, %arg0 : i32
    %mul3A_1 = arith.constant 25600 : i32
    %mul3A_2 = arith.muli %add3A, %mul3A_1 : i32
    "tpu.region"() ({
      %run_scoped3A = tpu.sem_alloc : memref<!tpu.dma_semaphore, #tpu.memory_space<semaphore_mem>>
      %dma_start3A = tpu.memref_slice %arg2[%mul3A_2] : memref<819200xi32, #tpu.memory_space<hbm>> -> memref<25600xi32, #tpu.memory_space<hbm>>
      %dma_start3A_31 = tpu.memref_slice %arg2[%mul3A_2] : memref<819200xi32, #tpu.memory_space<hbm>> -> memref<25600xi32, #tpu.memory_space<hbm>>
      tpu.enqueue_dma source(%dma_start3A_31 : memref<25600xi32, #tpu.memory_space<hbm>>) target(%arg5 : memref<25600xi32, #tpu.memory_space<vmem>>) target_semaphore(%run_scoped3A : memref<!tpu.dma_semaphore, #tpu.memory_space<semaphore_mem>>)
      %dma_wait3A_32 = tpu.memref_slice %arg2[%mul3A_2] : memref<819200xi32, #tpu.memory_space<hbm>> -> memref<25600xi32, #tpu.memory_space<hbm>>
      %dma_wait3A_33 = tpu.memref_slice %arg2[%mul3A_2] : memref<819200xi32, #tpu.memory_space<hbm>> -> memref<25600xi32, #tpu.memory_space<hbm>>
      tpu.wait_dma2 semaphore(%run_scoped3A : memref<!tpu.dma_semaphore, #tpu.memory_space<semaphore_mem>>) src(%dma_wait3A_33 : memref<25600xi32, #tpu.memory_space<hbm>>) dst(%arg5 : memref<25600xi32, #tpu.memory_space<vmem>>)
      tpu.yield
    }) : () -> ()
    %scan3A = arith.constant 0 : i32
    %scan3A_3 = arith.constant 0 : i32
    %scan3A_4 = arith.constant 20 : i32
    %scan3A_5 = arith.addi %scan3A_3, %scan3A_4 : i32
    %scan3A_6 = arith.constant 1 : i32
    scf.for %scan3A_31 = %scan3A_3 to %scan3A_5 step %scan3A_6  : i32 {
      %mul3A_32 = arith.constant 4 : i32
      %mul3A_33 = arith.muli %scan3A_31, %mul3A_32 : i32
      %gt3A = arith.constant 0 : i32
      %gt3A_34 = arith.cmpi sgt, %scan3A_31, %gt3A : i32
      %convert_element_type3A = arith.extui %gt3A_34 : i1 to i32
      %cond3A = arith.constant 0 : i32
      %cond3A_35 = arith.cmpi ne, %convert_element_type3A, %cond3A : i32
      scf.if %cond3A_35 {
        %sub3A = arith.constant 4 : i32
        %sub3A_150 = arith.subi %mul3A_33, %sub3A : i32
        %add3A_151 = arith.constant 0 : i32
        %add3A_152 = arith.addi %sub3A_150, %add3A_151 : i32
        %mul3A_153 = arith.constant 320 : i32
        %mul3A_154 = arith.muli %add3A_152, %mul3A_153 : i32
        %add3A_155 = arith.addi %mul3A_2, %mul3A_154 : i32
        %dma_wait3A_156 = arith.constant 0 : i32
        %dma_wait3A_157 = tpu.memref_slice %arg4[%add3A_155, %dma_wait3A_156] : memref<819200x64xf32, #tpu.memory_space<hbm>> -> memref<320x64xf32, #tpu.memory_space<hbm>>
        %dma_wait3A_158 = arith.constant 0 : i32
        %dma_wait3A_159 = tpu.memref_slice %arg4[%add3A_155, %dma_wait3A_158] : memref<819200x64xf32, #tpu.memory_space<hbm>> -> memref<320x64xf32, #tpu.memory_space<hbm>>
        tpu.wait_dma2 semaphore(%arg14 : memref<!tpu.dma_semaphore, #tpu.memory_space<semaphore_mem>>) src(%arg6 : memref<320x64xf32, #tpu.memory_space<vmem>>) dst(%dma_wait3A_159 : memref<320x64xf32, #tpu.memory_space<hbm>>)
      } else {
      }
      %add3A_36 = arith.constant 0 : i32
      %add3A_37 = arith.addi %mul3A_33, %add3A_36 : i32
      %mul3A_38 = arith.constant 320 : i32
      %mul3A_39 = arith.muli %add3A_37, %mul3A_38 : i32
      %dma_start3A = tpu.memref_slice %arg5[%mul3A_39] : memref<25600xi32, #tpu.memory_space<vmem>> -> memref<320xi32, #tpu.memory_space<vmem>>
      %dma_start3A_40 = arith.constant 0 : i32
      %dma_start3A_41 = arith.constant 0 : i32
      %dma_start3A_42 = tpu.memref_slice %arg3[%dma_start3A_40, %dma_start3A_41] : memref<102400x64xf32, #tpu.memory_space<hbm>> -> memref<102400x64xf32, #tpu.memory_space<hbm>>
      tpu.enqueue_indirect_dma source(%dma_start3A_42 : memref<102400x64xf32, #tpu.memory_space<hbm>>) target(%arg6 : memref<320x64xf32, #tpu.memory_space<vmem>>) offsets(%dma_start3A : memref<320xi32, #tpu.memory_space<vmem>>) semaphore(%arg10 : memref<!tpu.dma_semaphore, #tpu.memory_space<semaphore_mem>>)
      %gt3A_43 = arith.constant 0 : i32
      %gt3A_44 = arith.cmpi sgt, %scan3A_31, %gt3A_43 : i32
      %convert_element_type3A_45 = arith.extui %gt3A_44 : i1 to i32
      %cond3A_46 = arith.constant 0 : i32
      %cond3A_47 = arith.cmpi ne, %convert_element_type3A_45, %cond3A_46 : i32
      scf.if %cond3A_47 {
        %sub3A = arith.constant 4 : i32
        %sub3A_150 = arith.subi %mul3A_33, %sub3A : i32
        %add3A_151 = arith.constant 1 : i32
        %add3A_152 = arith.addi %sub3A_150, %add3A_151 : i32
        %mul3A_153 = arith.constant 320 : i32
        %mul3A_154 = arith.muli %add3A_152, %mul3A_153 : i32
        %add3A_155 = arith.addi %mul3A_2, %mul3A_154 : i32
        %dma_wait3A_156 = arith.constant 0 : i32
        %dma_wait3A_157 = tpu.memref_slice %arg4[%add3A_155, %dma_wait3A_156] : memref<819200x64xf32, #tpu.memory_space<hbm>> -> memref<320x64xf32, #tpu.memory_space<hbm>>
        %dma_wait3A_158 = arith.constant 0 : i32
        %dma_wait3A_159 = tpu.memref_slice %arg4[%add3A_155, %dma_wait3A_158] : memref<819200x64xf32, #tpu.memory_space<hbm>> -> memref<320x64xf32, #tpu.memory_space<hbm>>
        tpu.wait_dma2 semaphore(%arg15 : memref<!tpu.dma_semaphore, #tpu.memory_space<semaphore_mem>>) src(%arg7 : memref<320x64xf32, #tpu.memory_space<vmem>>) dst(%dma_wait3A_159 : memref<320x64xf32, #tpu.memory_space<hbm>>)
      } else {
      }
      %add3A_48 = arith.constant 1 : i32
      %add3A_49 = arith.addi %mul3A_33, %add3A_48 : i32
      %mul3A_50 = arith.constant 320 : i32
      %mul3A_51 = arith.muli %add3A_49, %mul3A_50 : i32
      %dma_start3A_52 = tpu.memref_slice %arg5[%mul3A_51] : memref<25600xi32, #tpu.memory_space<vmem>> -> memref<320xi32, #tpu.memory_space<vmem>>
      %dma_start3A_53 = arith.constant 0 : i32
      %dma_start3A_54 = arith.constant 0 : i32
      %dma_start3A_55 = tpu.memref_slice %arg3[%dma_start3A_53, %dma_start3A_54] : memref<102400x64xf32, #tpu.memory_space<hbm>> -> memref<102400x64xf32, #tpu.memory_space<hbm>>
      tpu.enqueue_indirect_dma source(%dma_start3A_55 : memref<102400x64xf32, #tpu.memory_space<hbm>>) target(%arg7 : memref<320x64xf32, #tpu.memory_space<vmem>>) offsets(%dma_start3A_52 : memref<320xi32, #tpu.memory_space<vmem>>) semaphore(%arg11 : memref<!tpu.dma_semaphore, #tpu.memory_space<semaphore_mem>>)
      %gt3A_56 = arith.constant 0 : i32
      %gt3A_57 = arith.cmpi sgt, %scan3A_31, %gt3A_56 : i32
      %convert_element_type3A_58 = arith.extui %gt3A_57 : i1 to i32
      %cond3A_59 = arith.constant 0 : i32
      %cond3A_60 = arith.cmpi ne, %convert_element_type3A_58, %cond3A_59 : i32
      scf.if %cond3A_60 {
        %sub3A = arith.constant 4 : i32
        %sub3A_150 = arith.subi %mul3A_33, %sub3A : i32
        %add3A_151 = arith.constant 2 : i32
        %add3A_152 = arith.addi %sub3A_150, %add3A_151 : i32
        %mul3A_153 = arith.constant 320 : i32
        %mul3A_154 = arith.muli %add3A_152, %mul3A_153 : i32
        %add3A_155 = arith.addi %mul3A_2, %mul3A_154 : i32
        %dma_wait3A_156 = arith.constant 0 : i32
        %dma_wait3A_157 = tpu.memref_slice %arg4[%add3A_155, %dma_wait3A_156] : memref<819200x64xf32, #tpu.memory_space<hbm>> -> memref<320x64xf32, #tpu.memory_space<hbm>>
        %dma_wait3A_158 = arith.constant 0 : i32
        %dma_wait3A_159 = tpu.memref_slice %arg4[%add3A_155, %dma_wait3A_158] : memref<819200x64xf32, #tpu.memory_space<hbm>> -> memref<320x64xf32, #tpu.memory_space<hbm>>
        tpu.wait_dma2 semaphore(%arg16 : memref<!tpu.dma_semaphore, #tpu.memory_space<semaphore_mem>>) src(%arg8 : memref<320x64xf32, #tpu.memory_space<vmem>>) dst(%dma_wait3A_159 : memref<320x64xf32, #tpu.memory_space<hbm>>)
      } else {
      }
      %add3A_61 = arith.constant 2 : i32
      %add3A_62 = arith.addi %mul3A_33, %add3A_61 : i32
      %mul3A_63 = arith.constant 320 : i32
      %mul3A_64 = arith.muli %add3A_62, %mul3A_63 : i32
      %dma_start3A_65 = tpu.memref_slice %arg5[%mul3A_64] : memref<25600xi32, #tpu.memory_space<vmem>> -> memref<320xi32, #tpu.memory_space<vmem>>
      %dma_start3A_66 = arith.constant 0 : i32
      %dma_start3A_67 = arith.constant 0 : i32
      %dma_start3A_68 = tpu.memref_slice %arg3[%dma_start3A_66, %dma_start3A_67] : memref<102400x64xf32, #tpu.memory_space<hbm>> -> memref<102400x64xf32, #tpu.memory_space<hbm>>
      tpu.enqueue_indirect_dma source(%dma_start3A_68 : memref<102400x64xf32, #tpu.memory_space<hbm>>) target(%arg8 : memref<320x64xf32, #tpu.memory_space<vmem>>) offsets(%dma_start3A_65 : memref<320xi32, #tpu.memory_space<vmem>>) semaphore(%arg12 : memref<!tpu.dma_semaphore, #tpu.memory_space<semaphore_mem>>)
      %gt3A_69 = arith.constant 0 : i32
      %gt3A_70 = arith.cmpi sgt, %scan3A_31, %gt3A_69 : i32
      %convert_element_type3A_71 = arith.extui %gt3A_70 : i1 to i32
      %cond3A_72 = arith.constant 0 : i32
      %cond3A_73 = arith.cmpi ne, %convert_element_type3A_71, %cond3A_72 : i32
      scf.if %cond3A_73 {
        %sub3A = arith.constant 4 : i32
        %sub3A_150 = arith.subi %mul3A_33, %sub3A : i32
        %add3A_151 = arith.constant 3 : i32
        %add3A_152 = arith.addi %sub3A_150, %add3A_151 : i32
        %mul3A_153 = arith.constant 320 : i32
        %mul3A_154 = arith.muli %add3A_152, %mul3A_153 : i32
        %add3A_155 = arith.addi %mul3A_2, %mul3A_154 : i32
        %dma_wait3A_156 = arith.constant 0 : i32
        %dma_wait3A_157 = tpu.memref_slice %arg4[%add3A_155, %dma_wait3A_156] : memref<819200x64xf32, #tpu.memory_space<hbm>> -> memref<320x64xf32, #tpu.memory_space<hbm>>
        %dma_wait3A_158 = arith.constant 0 : i32
        %dma_wait3A_159 = tpu.memref_slice %arg4[%add3A_155, %dma_wait3A_158] : memref<819200x64xf32, #tpu.memory_space<hbm>> -> memref<320x64xf32, #tpu.memory_space<hbm>>
        tpu.wait_dma2 semaphore(%arg17 : memref<!tpu.dma_semaphore, #tpu.memory_space<semaphore_mem>>) src(%arg9 : memref<320x64xf32, #tpu.memory_space<vmem>>) dst(%dma_wait3A_159 : memref<320x64xf32, #tpu.memory_space<hbm>>)
      } else {
      }
      %add3A_74 = arith.constant 3 : i32
      %add3A_75 = arith.addi %mul3A_33, %add3A_74 : i32
      %mul3A_76 = arith.constant 320 : i32
      %mul3A_77 = arith.muli %add3A_75, %mul3A_76 : i32
      %dma_start3A_78 = tpu.memref_slice %arg5[%mul3A_77] : memref<25600xi32, #tpu.memory_space<vmem>> -> memref<320xi32, #tpu.memory_space<vmem>>
      %dma_start3A_79 = arith.constant 0 : i32
      %dma_start3A_80 = arith.constant 0 : i32
      %dma_start3A_81 = tpu.memref_slice %arg3[%dma_start3A_79, %dma_start3A_80] : memref<102400x64xf32, #tpu.memory_space<hbm>> -> memref<102400x64xf32, #tpu.memory_space<hbm>>
      tpu.enqueue_indirect_dma source(%dma_start3A_81 : memref<102400x64xf32, #tpu.memory_space<hbm>>) target(%arg9 : memref<320x64xf32, #tpu.memory_space<vmem>>) offsets(%dma_start3A_78 : memref<320xi32, #tpu.memory_space<vmem>>) semaphore(%arg13 : memref<!tpu.dma_semaphore, #tpu.memory_space<semaphore_mem>>)
      %add3A_82 = arith.constant 0 : i32
      %add3A_83 = arith.addi %mul3A_33, %add3A_82 : i32
      %mul3A_84 = arith.constant 320 : i32
      %mul3A_85 = arith.muli %add3A_83, %mul3A_84 : i32
      %dma_wait3A_86 = tpu.memref_slice %arg5[%mul3A_85] : memref<25600xi32, #tpu.memory_space<vmem>> -> memref<320xi32, #tpu.memory_space<vmem>>
      %dma_wait3A_87 = arith.constant 0 : i32
      %dma_wait3A_88 = arith.constant 0 : i32
      %dma_wait3A_89 = tpu.memref_slice %arg3[%dma_wait3A_87, %dma_wait3A_88] : memref<102400x64xf32, #tpu.memory_space<hbm>> -> memref<102400x64xf32, #tpu.memory_space<hbm>>
      tpu.wait_indirect_dma semaphore(%arg10 : memref<!tpu.dma_semaphore, #tpu.memory_space<semaphore_mem>>) src(%dma_wait3A_89 : memref<102400x64xf32, #tpu.memory_space<hbm>>) dst(%arg6 : memref<320x64xf32, #tpu.memory_space<vmem>>)
      %add3A_90 = arith.constant 0 : i32
      %add3A_91 = arith.addi %mul3A_33, %add3A_90 : i32
      %mul3A_92 = arith.constant 320 : i32
      %mul3A_93 = arith.muli %add3A_91, %mul3A_92 : i32
      %add3A_94 = arith.addi %mul3A_2, %mul3A_93 : i32
      %dma_start3A_95 = arith.constant 0 : i32
      %dma_start3A_96 = tpu.memref_slice %arg4[%add3A_94, %dma_start3A_95] : memref<819200x64xf32, #tpu.memory_space<hbm>> -> memref<320x64xf32, #tpu.memory_space<hbm>>
      %dma_start3A_97 = arith.constant 0 : i32
      %dma_start3A_98 = tpu.memref_slice %arg4[%add3A_94, %dma_start3A_97] : memref<819200x64xf32, #tpu.memory_space<hbm>> -> memref<320x64xf32, #tpu.memory_space<hbm>>
      tpu.enqueue_dma source(%arg6 : memref<320x64xf32, #tpu.memory_space<vmem>>) target(%dma_start3A_98 : memref<320x64xf32, #tpu.memory_space<hbm>>) target_semaphore(%arg14 : memref<!tpu.dma_semaphore, #tpu.memory_space<semaphore_mem>>)
      %add3A_99 = arith.constant 1 : i32
      %add3A_100 = arith.addi %mul3A_33, %add3A_99 : i32
      %mul3A_101 = arith.constant 320 : i32
      %mul3A_102 = arith.muli %add3A_100, %mul3A_101 : i32
      %dma_wait3A_103 = tpu.memref_slice %arg5[%mul3A_102] : memref<25600xi32, #tpu.memory_space<vmem>> -> memref<320xi32, #tpu.memory_space<vmem>>
      %dma_wait3A_104 = arith.constant 0 : i32
      %dma_wait3A_105 = arith.constant 0 : i32
      %dma_wait3A_106 = tpu.memref_slice %arg3[%dma_wait3A_104, %dma_wait3A_105] : memref<102400x64xf32, #tpu.memory_space<hbm>> -> memref<102400x64xf32, #tpu.memory_space<hbm>>
      tpu.wait_indirect_dma semaphore(%arg11 : memref<!tpu.dma_semaphore, #tpu.memory_space<semaphore_mem>>) src(%dma_wait3A_106 : memref<102400x64xf32, #tpu.memory_space<hbm>>) dst(%arg7 : memref<320x64xf32, #tpu.memory_space<vmem>>)
      %add3A_107 = arith.constant 1 : i32
      %add3A_108 = arith.addi %mul3A_33, %add3A_107 : i32
      %mul3A_109 = arith.constant 320 : i32
      %mul3A_110 = arith.muli %add3A_108, %mul3A_109 : i32
      %add3A_111 = arith.addi %mul3A_2, %mul3A_110 : i32
      %dma_start3A_112 = arith.constant 0 : i32
      %dma_start3A_113 = tpu.memref_slice %arg4[%add3A_111, %dma_start3A_112] : memref<819200x64xf32, #tpu.memory_space<hbm>> -> memref<320x64xf32, #tpu.memory_space<hbm>>
      %dma_start3A_114 = arith.constant 0 : i32
      %dma_start3A_115 = tpu.memref_slice %arg4[%add3A_111, %dma_start3A_114] : memref<819200x64xf32, #tpu.memory_space<hbm>> -> memref<320x64xf32, #tpu.memory_space<hbm>>
      tpu.enqueue_dma source(%arg7 : memref<320x64xf32, #tpu.memory_space<vmem>>) target(%dma_start3A_115 : memref<320x64xf32, #tpu.memory_space<hbm>>) target_semaphore(%arg15 : memref<!tpu.dma_semaphore, #tpu.memory_space<semaphore_mem>>)
      %add3A_116 = arith.constant 2 : i32
      %add3A_117 = arith.addi %mul3A_33, %add3A_116 : i32
      %mul3A_118 = arith.constant 320 : i32
      %mul3A_119 = arith.muli %add3A_117, %mul3A_118 : i32
      %dma_wait3A_120 = tpu.memref_slice %arg5[%mul3A_119] : memref<25600xi32, #tpu.memory_space<vmem>> -> memref<320xi32, #tpu.memory_space<vmem>>
      %dma_wait3A_121 = arith.constant 0 : i32
      %dma_wait3A_122 = arith.constant 0 : i32
      %dma_wait3A_123 = tpu.memref_slice %arg3[%dma_wait3A_121, %dma_wait3A_122] : memref<102400x64xf32, #tpu.memory_space<hbm>> -> memref<102400x64xf32, #tpu.memory_space<hbm>>
      tpu.wait_indirect_dma semaphore(%arg12 : memref<!tpu.dma_semaphore, #tpu.memory_space<semaphore_mem>>) src(%dma_wait3A_123 : memref<102400x64xf32, #tpu.memory_space<hbm>>) dst(%arg8 : memref<320x64xf32, #tpu.memory_space<vmem>>)
      %add3A_124 = arith.constant 2 : i32
      %add3A_125 = arith.addi %mul3A_33, %add3A_124 : i32
      %mul3A_126 = arith.constant 320 : i32
      %mul3A_127 = arith.muli %add3A_125, %mul3A_126 : i32
      %add3A_128 = arith.addi %mul3A_2, %mul3A_127 : i32
      %dma_start3A_129 = arith.constant 0 : i32
      %dma_start3A_130 = tpu.memref_slice %arg4[%add3A_128, %dma_start3A_129] : memref<819200x64xf32, #tpu.memory_space<hbm>> -> memref<320x64xf32, #tpu.memory_space<hbm>>
      %dma_start3A_131 = arith.constant 0 : i32
      %dma_start3A_132 = tpu.memref_slice %arg4[%add3A_128, %dma_start3A_131] : memref<819200x64xf32, #tpu.memory_space<hbm>> -> memref<320x64xf32, #tpu.memory_space<hbm>>
      tpu.enqueue_dma source(%arg8 : memref<320x64xf32, #tpu.memory_space<vmem>>) target(%dma_start3A_132 : memref<320x64xf32, #tpu.memory_space<hbm>>) target_semaphore(%arg16 : memref<!tpu.dma_semaphore, #tpu.memory_space<semaphore_mem>>)
      %add3A_133 = arith.constant 3 : i32
      %add3A_134 = arith.addi %mul3A_33, %add3A_133 : i32
      %mul3A_135 = arith.constant 320 : i32
      %mul3A_136 = arith.muli %add3A_134, %mul3A_135 : i32
      %dma_wait3A_137 = tpu.memref_slice %arg5[%mul3A_136] : memref<25600xi32, #tpu.memory_space<vmem>> -> memref<320xi32, #tpu.memory_space<vmem>>
      %dma_wait3A_138 = arith.constant 0 : i32
      %dma_wait3A_139 = arith.constant 0 : i32
      %dma_wait3A_140 = tpu.memref_slice %arg3[%dma_wait3A_138, %dma_wait3A_139] : memref<102400x64xf32, #tpu.memory_space<hbm>> -> memref<102400x64xf32, #tpu.memory_space<hbm>>
      tpu.wait_indirect_dma semaphore(%arg13 : memref<!tpu.dma_semaphore, #tpu.memory_space<semaphore_mem>>) src(%dma_wait3A_140 : memref<102400x64xf32, #tpu.memory_space<hbm>>) dst(%arg9 : memref<320x64xf32, #tpu.memory_space<vmem>>)
      %add3A_141 = arith.constant 3 : i32
      %add3A_142 = arith.addi %mul3A_33, %add3A_141 : i32
      %mul3A_143 = arith.constant 320 : i32
      %mul3A_144 = arith.muli %add3A_142, %mul3A_143 : i32
      %add3A_145 = arith.addi %mul3A_2, %mul3A_144 : i32
      %dma_start3A_146 = arith.constant 0 : i32
      %dma_start3A_147 = tpu.memref_slice %arg4[%add3A_145, %dma_start3A_146] : memref<819200x64xf32, #tpu.memory_space<hbm>> -> memref<320x64xf32, #tpu.memory_space<hbm>>
      %dma_start3A_148 = arith.constant 0 : i32
      %dma_start3A_149 = tpu.memref_slice %arg4[%add3A_145, %dma_start3A_148] : memref<819200x64xf32, #tpu.memory_space<hbm>> -> memref<320x64xf32, #tpu.memory_space<hbm>>
      tpu.enqueue_dma source(%arg9 : memref<320x64xf32, #tpu.memory_space<vmem>>) target(%dma_start3A_149 : memref<320x64xf32, #tpu.memory_space<hbm>>) target_semaphore(%arg17 : memref<!tpu.dma_semaphore, #tpu.memory_space<semaphore_mem>>)
    }
    %scan3A_7 = arith.constant 20 : i32
    %add3A_8 = arith.constant 24320 : i32
    %add3A_9 = arith.addi %mul3A_2, %add3A_8 : i32
    %dma_wait3A = arith.constant 0 : i32
    %dma_wait3A_10 = tpu.memref_slice %arg4[%add3A_9, %dma_wait3A] : memref<819200x64xf32, #tpu.memory_space<hbm>> -> memref<320x64xf32, #tpu.memory_space<hbm>>
    %dma_wait3A_11 = arith.constant 0 : i32
    %dma_wait3A_12 = tpu.memref_slice %arg4[%add3A_9, %dma_wait3A_11] : memref<819200x64xf32, #tpu.memory_space<hbm>> -> memref<320x64xf32, #tpu.memory_space<hbm>>
    tpu.wait_dma2 semaphore(%arg14 : memref<!tpu.dma_semaphore, #tpu.memory_space<semaphore_mem>>) src(%arg6 : memref<320x64xf32, #tpu.memory_space<vmem>>) dst(%dma_wait3A_12 : memref<320x64xf32, #tpu.memory_space<hbm>>)
    %add3A_13 = arith.constant 24640 : i32
    %add3A_14 = arith.addi %mul3A_2, %add3A_13 : i32
    %dma_wait3A_15 = arith.constant 0 : i32
    %dma_wait3A_16 = tpu.memref_slice %arg4[%add3A_14, %dma_wait3A_15] : memref<819200x64xf32, #tpu.memory_space<hbm>> -> memref<320x64xf32, #tpu.memory_space<hbm>>
    %dma_wait3A_17 = arith.constant 0 : i32
    %dma_wait3A_18 = tpu.memref_slice %arg4[%add3A_14, %dma_wait3A_17] : memref<819200x64xf32, #tpu.memory_space<hbm>> -> memref<320x64xf32, #tpu.memory_space<hbm>>
    tpu.wait_dma2 semaphore(%arg15 : memref<!tpu.dma_semaphore, #tpu.memory_space<semaphore_mem>>) src(%arg7 : memref<320x64xf32, #tpu.memory_space<vmem>>) dst(%dma_wait3A_18 : memref<320x64xf32, #tpu.memory_space<hbm>>)
    %add3A_19 = arith.constant 24960 : i32
    %add3A_20 = arith.addi %mul3A_2, %add3A_19 : i32
    %dma_wait3A_21 = arith.constant 0 : i32
    %dma_wait3A_22 = tpu.memref_slice %arg4[%add3A_20, %dma_wait3A_21] : memref<819200x64xf32, #tpu.memory_space<hbm>> -> memref<320x64xf32, #tpu.memory_space<hbm>>
    %dma_wait3A_23 = arith.constant 0 : i32
    %dma_wait3A_24 = tpu.memref_slice %arg4[%add3A_20, %dma_wait3A_23] : memref<819200x64xf32, #tpu.memory_space<hbm>> -> memref<320x64xf32, #tpu.memory_space<hbm>>
    tpu.wait_dma2 semaphore(%arg16 : memref<!tpu.dma_semaphore, #tpu.memory_space<semaphore_mem>>) src(%arg8 : memref<320x64xf32, #tpu.memory_space<vmem>>) dst(%dma_wait3A_24 : memref<320x64xf32, #tpu.memory_space<hbm>>)
    %add3A_25 = arith.constant 25280 : i32
    %add3A_26 = arith.addi %mul3A_2, %add3A_25 : i32
    %dma_wait3A_27 = arith.constant 0 : i32
    %dma_wait3A_28 = tpu.memref_slice %arg4[%add3A_26, %dma_wait3A_27] : memref<819200x64xf32, #tpu.memory_space<hbm>> -> memref<320x64xf32, #tpu.memory_space<hbm>>
    %dma_wait3A_29 = arith.constant 0 : i32
    %dma_wait3A_30 = tpu.memref_slice %arg4[%add3A_26, %dma_wait3A_29] : memref<819200x64xf32, #tpu.memory_space<hbm>> -> memref<320x64xf32, #tpu.memory_space<hbm>>
    tpu.wait_dma2 semaphore(%arg17 : memref<!tpu.dma_semaphore, #tpu.memory_space<semaphore_mem>>) src(%arg9 : memref<320x64xf32, #tpu.memory_space<vmem>>) dst(%dma_wait3A_30 : memref<320x64xf32, #tpu.memory_space<hbm>>)
    return
  }
}

module attributes {stable_mosaic.version = 14 : i64} {
  func.func @_proj_body(%arg0: i32, %arg1: memref<4096x128xf32, #tpu.memory_space<vmem>>, %arg2: memref<4096x128xf32, #tpu.memory_space<vmem>>, %arg3: memref<128x64xf32, #tpu.memory_space<vmem>>, %arg4: memref<128x64xf32, #tpu.memory_space<vmem>>, %arg5: memref<1x64xf32, #tpu.memory_space<vmem>>, %arg6: memref<4096x64xf32, #tpu.memory_space<vmem>>) attributes {dimension_semantics = [#tpu.dimension_semantics<arbitrary>], iteration_bounds = array<i64: 25>, scalar_prefetch = 0 : i64, scratch_operands = 0 : i64, tpu.core_type = #tpu.core_type<tc>, window_params = [{transform_indices = @transform_0, window_bounds = array<i64: 4096, 128>}, {transform_indices = @transform_1, window_bounds = array<i64: 4096, 128>}, {pipeline_mode = #tpu.pipeline_mode<synchronous>, transform_indices = @transform_2, window_bounds = array<i64: 128, 64>}, {pipeline_mode = #tpu.pipeline_mode<synchronous>, transform_indices = @transform_3, window_bounds = array<i64: 128, 64>}, {pipeline_mode = #tpu.pipeline_mode<synchronous>, transform_indices = @transform_4, window_bounds = array<i64: 1, 64>}, {transform_indices = @transform_5, window_bounds = array<i64: 4096, 64>}]} {
    %get3A = arith.constant 0 : index
    %get3A_0 = arith.constant 0 : index
    %get3A_1 = vector.load %arg1[%get3A, %get3A_0] : memref<4096x128xf32, #tpu.memory_space<vmem>>, vector<4096x128xf32>
    %get3A_2 = arith.constant 0 : index
    %get3A_3 = arith.constant 0 : index
    %get3A_4 = vector.load %arg3[%get3A_2, %get3A_3] : memref<128x64xf32, #tpu.memory_space<vmem>>, vector<128x64xf32>
    %dot_general3A = arith.constant dense<0.000000e+00> : vector<4096x64xf32>
    %dot_general3A_5 = tpu.matmul %get3A_1, %get3A_4, %dot_general3A {dimension_numbers = #tpu.dot_dimension_numbers<[1], [0], [0], [1], [0, 0, 1, 1], [], []>, transpose_lhs_hint = false} : vector<4096x128xf32>, vector<128x64xf32>, vector<4096x64xf32> -> vector<4096x64xf32>
    %get3A_6 = arith.constant 0 : index
    %get3A_7 = arith.constant 0 : index
    %get3A_8 = vector.load %arg2[%get3A_6, %get3A_7] : memref<4096x128xf32, #tpu.memory_space<vmem>>, vector<4096x128xf32>
    %get3A_9 = arith.constant 0 : index
    %get3A_10 = arith.constant 0 : index
    %get3A_11 = vector.load %arg4[%get3A_9, %get3A_10] : memref<128x64xf32, #tpu.memory_space<vmem>>, vector<128x64xf32>
    %dot_general3A_12 = arith.constant dense<0.000000e+00> : vector<4096x64xf32>
    %dot_general3A_13 = tpu.matmul %get3A_8, %get3A_11, %dot_general3A_12 {dimension_numbers = #tpu.dot_dimension_numbers<[1], [0], [0], [1], [0, 0, 1, 1], [], []>, transpose_lhs_hint = false} : vector<4096x128xf32>, vector<128x64xf32>, vector<4096x64xf32> -> vector<4096x64xf32>
    %add3A = arith.addf %dot_general3A_5, %dot_general3A_13 : vector<4096x64xf32>
    %get3A_14 = arith.constant 0 : index
    %get3A_15 = arith.constant 0 : index
    %get3A_16 = vector.load %arg5[%get3A_14, %get3A_15] : memref<1x64xf32, #tpu.memory_space<vmem>>, vector<1x64xf32>
    %add3A_17 = vector.broadcast %get3A_16 : vector<1x64xf32> to vector<4096x64xf32>
    %add3A_18 = arith.addf %add3A, %add3A_17 : vector<4096x64xf32>
    %swap3A = arith.constant 0 : index
    %swap3A_19 = arith.constant 0 : index
    %swap3A_20 = vector.load %arg6[%swap3A, %swap3A_19] : memref<4096x64xf32, #tpu.memory_space<vmem>>, vector<4096x64xf32>
    tpu.vector_store %arg6[%swap3A, %swap3A_19], %add3A_18 {strides = array<i32>} : memref<4096x64xf32, #tpu.memory_space<vmem>>, vector<4096x64xf32>,
    return
  }
  func.func @transform_0(%arg0: i32) -> (i32, i32) {
    %c0_i32 = arith.constant 0 : i32
    %c0_i32_0 = arith.constant 0 : i32
    return %arg0, %c0_i32 : i32, i32
  }
  func.func @transform_1(%arg0: i32) -> (i32, i32) {
    %c0_i32 = arith.constant 0 : i32
    %c0_i32_0 = arith.constant 0 : i32
    return %arg0, %c0_i32 : i32, i32
  }
  func.func @transform_2(%arg0: i32) -> (i32, i32) {
    %c0_i32 = arith.constant 0 : i32
    %c0_i32_0 = arith.constant 0 : i32
    %c0_i32_1 = arith.constant 0 : i32
    return %c0_i32, %c0_i32_0 : i32, i32
  }
  func.func @transform_3(%arg0: i32) -> (i32, i32) {
    %c0_i32 = arith.constant 0 : i32
    %c0_i32_0 = arith.constant 0 : i32
    %c0_i32_1 = arith.constant 0 : i32
    return %c0_i32, %c0_i32_0 : i32, i32
  }
  func.func @transform_4(%arg0: i32) -> (i32, i32) {
    %c0_i32 = arith.constant 0 : i32
    %c0_i32_0 = arith.constant 0 : i32
    %c0_i32_1 = arith.constant 0 : i32
    return %c0_i32, %c0_i32_0 : i32, i32
  }
  func.func @transform_5(%arg0: i32) -> (i32, i32) {
    %c0_i32 = arith.constant 0 : i32
    %c0_i32_0 = arith.constant 0 : i32
    return %arg0, %c0_i32 : i32, i32
  }
}

</mosaic_0001>

<sc_bundles>
// kernel: kernel.4.cloned.1.call-start
scs
__scs_entry_jumppad:
0x0: {  	(pc) =	sbr.rel $0x88, $3  }
0x1: {  	(tag) =	ssettag $0x0;
	lr =	simm.s32 $0x1  }
0x2: {  	[smem:$0x3F9C] =	sst lr;
	_ =	strace $0xD0000000  }
0x3: {  	_ = 	snop  }
0x4: {  	_ = 	snop  }
0x5: {  	_ = 	snop  }
0x6: {  	_ = 	snop  }
0x7: {  	_ = 	snop  }
__scs_overlays_trampoline_lowered:
0x8: {  	[smem:$0x3FAB] =	sst s0  }
0x9: {  	[smem:$0x3FAC] =	sst s1  }
0xa: {  	[smem:$0x3FAD] =	sst s2  }
0xb: {  	[smem:$0x3FAE] =	sst s3  }
0xc: {  	[smem:$0x3FAF] =	sst s4  }
0xd: {  	[smem:$0x3FB0] =	sst s5  }
0xe: {  	[smem:$0x3FB1] =	sst s6  }
0xf: {  	[smem:$0x3FB2] =	sst s7  }
0x10: {  	[smem:$0x3FB3] =	sst s8  }
0x11: {  	[smem:$0x3FB4] =	sst s9;
	s0 =	simm.s32 @!p0 $0x0  }
0x12: {  	s1 =	sld [smem:$0x3F9A];
	s0 =	simm.s32 @p0 $0x1  }
0x13: {  	[smem:$0x3FB5] =	sst s0;
	s0 =	simm.s32 @!p1 $0x0  }
0x14: {  	s2 =	sld [smem:$0x3F99];
	s0 =	simm.s32 @p1 $0x1  }
0x15: {  	[smem:$0x3FB6] =	sst s0;
	s0 =	simm.s32 @!p2 $0x0  }
0x16: {  	s3 =	sld [smem:$0x3FDB];
	s0 =	simm.s32 @p2 $0x1  }
0x17: {  	s4 =	simm.s32 $0x1BF5;
	[smem:$0x3FB8] =	sst s0  }
0x18: {  	s0 =	sld [smem:$0x3F9B];
	_ =	swait.ge [sflag:s4], $0x0  }
0x19: {  	s7 =	sld [smem:$0x3F9C]  }
0x1a: {  	s8 =	sadd.s32 $0xFFFFE003, lr  }
0x1b: {  	s9 =	sadd.s32 $0xFFFFFEF7, lr;
	s5 =	simm.s32 $0xFFFFFFFF;
	p2 =	slt.u32 s8, $0xFFFFF086  }
0x1c: {  	p1 =	slt.u32 s9, $0xF7A;
	s5 =	simm.s32 @!p2 $0x0  }
0x1d: {  	s5 =	simm.s32 @p1 $0x1;
	p0 =	seq.s32 s7, s2  }
0x1e: {  	s7 =	smul.u32 @!p0 $0xF7A, s2;
	p2 =	seq.s32 @!p0 s5, $0x0  }
0x1f: {  	s9 =	smul.u32 $0xF7A, s1;
	s8 =	simm.s32 @!p0 $0x1BF5;
	p2 =	por !p2, p0  }
0x20: {  	[sflag:s8] =	ssyncset.s32 @!p0 $0xFFFFF086;
	s6 =	sadd.s32 @!p0 s3, s7;
	s7 =	simm.s32 @!p0 $0x108  }
0x21: {  	s3 =	sadd.s32 s3, s9;
	s6 =	sadd.s32 @!p0 $0x88, s6;
	s7 =	simm.s32 @p2 $0x1082  }
0x22: {  	[simem:s7], [sflag:s8] =	dma.local @!p0 [hbm:s6], $0xF7A  }
0x23: {  	s9 =	sor.u32 $0xD0000000, s2;
	s6 =	simm.s32 $0x108;
	_ =	swait.ge @!p0 [sflag:s8], $0x0  }
0x24: {  	s3 =	sadd.s32 $0x88, s3;
	s6 =	simm.s32 @!p1 $0x1082;
	[sflag:s4] =	ssyncset.s32 $0xFFFFF086  }
0x25: {  	[simem:s6], [sflag:s4] =	dma.local [hbm:s3], $0xF7A  }
0x26: {  	[smem:$0x3F9C] =	sst s1;
	(tag) =	ssettag s2;
	_ =	strace s9  }
0x27: {  	s1 =	sld [smem:$0x3FAC]  }
0x28: {  	s2 =	sld [smem:$0x3FAD]  }
0x29: {  	s4 =	sld [smem:$0x3FAF]  }
0x2a: {  	p0 =	seq.s32 s5, $0x0;
	s5 =	sld [smem:$0x3FB0]  }
0x2b: {  	s6 =	sld [smem:$0x3FB1]  }
0x2c: {  	s7 =	sld [smem:$0x3FB2]  }
0x2d: {  	s3 =	simm.s32 $0x108;
	s8 =	sld [smem:$0x3FB3]  }
0x2e: {  	s3 =	simm.s32 @!p0 $0x1082;
	s9 =	sld [smem:$0x3FB4]  }
0x2f: {  	lr =	sadd.s32 s0, s3;
	s0 =	sld [smem:$0x3FAB]  }
0x30: {  	s3 =	sld [smem:$0x3FAE]  }
0x31: {  	[smem:$0x3FB7] =	sst s10  }
0x32: {  	s10 =	sld [smem:$0x3FB5];
	_ =	sdelay $0x3  }
0x33: {  	p0 =	seq.s32 s10, $0x1;
	s10 =	sld [smem:$0x3FB7];
	_ =	sdelay $0x3  }
0x34: {  	[smem:$0x3FB7] =	sst s10  }
0x35: {  	s10 =	sld [smem:$0x3FB6];
	_ =	sdelay $0x3  }
0x36: {  	p1 =	seq.s32 s10, $0x1;
	s10 =	sld [smem:$0x3FB7];
	_ =	sdelay $0x3  }
0x37: {  	[smem:$0x3FB7] =	sst s10  }
0x38: {  	s10 =	sld [smem:$0x3FB8]  }
0x39: {  	_ = 	snop;
	(pc) =	sbr.ind lr, $3  }
0x3a: {  	_ = 	snop  }
0x3b: {  	_ = 	snop  }
0x3c: {  	p2 =	seq.s32 s10, $0x1;
	s10 =	sld [smem:$0x3FB7]  }
0x3d: {  	_ =	shalt  }
0x3e: {  	_ =	shalt  }
0x3f: {  	_ =	shalt  }
0x40: {  	_ =	shalt  }
0x41: {  	_ =	shalt  }
0x42: {  	_ =	shalt  }
0x43: {  	_ =	shalt  }
0x44: {  	_ =	shalt  }
0x45: {  	_ =	shalt  }
0x46: {  	_ =	shalt  }
0x47: {  	_ =	shalt  }
0x48: {  	_ =	shalt  }
0x49: {  	_ =	shalt  }
0x4a: {  	_ =	shalt  }
0x4b: {  	_ =	shalt  }
0x4c: {  	_ =	shalt  }
0x4d: {  	_ =	shalt  }
0x4e: {  	_ =	shalt  }
0x4f: {  	_ =	shalt  }
0x50: {  	_ =	shalt  }
0x51: {  	_ =	shalt  }
0x52: {  	_ =	shalt  }
0x53: {  	_ =	shalt  }
0x54: {  	_ =	shalt  }
0x55: {  	_ =	shalt  }
0x56: {  	_ =	shalt  }
0x57: {  	_ =	shalt  }
0x58: {  	_ =	shalt  }
0x59: {  	_ =	shalt  }
0x5a: {  	_ =	shalt  }
0x5b: {  	_ =	shalt  }
0x5c: {  	_ =	shalt  }
0x5d: {  	_ =	shalt  }
0x5e: {  	_ =	shalt  }
0x5f: {  	_ =	shalt  }
0x60: {  	_ =	shalt  }
0x61: {  	_ =	shalt  }
0x62: {  	_ =	shalt  }
0x63: {  	_ =	shalt  }
0x64: {  	_ =	shalt  }
0x65: {  	_ =	shalt  }
0x66: {  	_ =	shalt  }
0x67: {  	_ =	shalt  }
0x68: {  	_ =	shalt  }
0x69: {  	_ =	shalt  }
0x6a: {  	_ =	shalt  }
0x6b: {  	_ =	shalt  }
0x6c: {  	_ =	shalt  }
0x6d: {  	_ =	shalt  }
0x6e: {  	_ =	shalt  }
0x6f: {  	_ =	shalt  }
0x70: {  	_ =	shalt  }
0x71: {  	_ =	shalt  }
0x72: {  	_ =	shalt  }
0x73: {  	_ =	shalt  }
0x74: {  	_ =	shalt  }
0x75: {  	_ =	shalt  }
0x76: {  	_ =	shalt  }
0x77: {  	_ =	shalt  }
0x78: {  	_ =	shalt  }
0x79: {  	_ =	shalt  }
0x7a: {  	_ =	shalt  }
0x7b: {  	_ =	shalt  }
0x7c: {  	_ =	shalt  }
0x7d: {  	_ =	shalt  }
0x7e: {  	_ =	shalt  }
0x7f: {  	_ =	shalt  }
0x80: {  	_ =	shalt  }
0x81: {  	_ =	shalt  }
0x82: {  	_ =	shalt  }
0x83: {  	_ =	shalt  }
0x84: {  	_ =	shalt  }
0x85: {  	_ =	shalt  }
0x86: {  	_ =	shalt  }
0x87: {  	_ =	shalt  }
.Lfunc_end0:
.L_simem_size_0:
called_computation.1_lowered:
.L_overlay_start_0:
0x88: {  	s2 =	sld [smem:$0x3FD9]  }
0x89: {  	s3 =	sld [smem:$0x3FFE];
	_ =	sdelay $0x1  }
0x8a: {  	s1 =	srdreg.scid  }
0x8b: {  	s0 =	sand.u32 $0x1, s1  }
0x8c: {  	s14 =	sshll.u32 s0, $0xA;
	s2 =	sadd.s32 s3, s2  }
0x8d: {  	s2 =	sadd.s32 s2, s14  }
0x8e: {  	[smem:$0x3FC3] =	sst s2  }
0x8f: {  	_ = 	snop  }
0x90: {  	s2 =	sld [smem:$0x3FD0];
	_ =	sdelay $0x2  }
0x91: {  	s15 =	simm.s32 $0xA;
	s4 =	simm.s32 $0x10  }
0x92: {  	[smem:s4], [sflag:s15] =	dma.local [hbm:s2], $0x1  }
0x93: {  	_ =	swait.eq [sflag:s15], $0x1  }
0x94: {  	[sflag:s15] =	ssyncset.done $0x0  }
0x95: {  	[sflag:s15] =	ssyncadd.s32 $0xFFFFFFFF  }
0x96: {  	s16 =	sld [smem:$0x10];
	(tm) =	ssettm $0x1  }
0x97: {  	s17 =	sld [smem:$0x3FFB];
	_ =	sdelay $0x3  }
0x98: {  	_ =	strace s17  }
0x99: {  	s3 =	sld [smem:$0x3FFC];
	_ =	sdelay $0x3  }
0x9a: {  	_ =	strace s3  }
0x9b: {  	s3 =	sld [smem:$0x3FFD];
	_ =	sdelay $0x3  }
0x9c: {  	_ =	strace s3  }
0x9d: {  	_ =	strace $0x8FFFFFFF  }
0x9e: {  	s18 =	sld [smem:$0x3FDB];
	_ =	sdelay $0x1  }
0x9f: {  	s19 =	simm.s32 $_scs_section_size  }
0xa0: {  	s5 =	simm.s32 $_size__tile_overlayer_lowered;
	s6 =	simm.s32 $_tile_overlayer_lowered  }
0xa1: {  	s22 =	simm.s32 $0x1BFF;
	s21 =	sshll.u32 s6, $0x1;
	s3 =	sadd.s32 s19, s18  }
0xa2: {  	s7 =	simm.s32 $0x0;
	s20 =	sshll.u32 s5, $0x1;
	s5 =	sadd.s32 s21, s3  }
0xa3: {  	[timem:s7], [sflag:s22] =	dma.local [hbm:s5], s20  }
0xa4: {  	_ =	swait.ge [sflag:s22], s20  }
0xa5: {  	s4 =	ssub.s32 $0x0, s20;
	[sflag:s22] =	ssyncset.done $0x0  }
0xa6: {  	[sflag:s22] =	ssyncadd.s32 s4;
	_ =	sdelay $0x1  }
0xa7: {  	s23 =	simm.s32 $0x1B8B  }
0xa8: {  	_ =	swait.ge [sflag:s23], $0x1  }
0xa9: {  	[sflag:s23] =	ssyncset.done $0x0  }
0xaa: {  	s25 =	simm.s32 $0x1B8E;
	s24 =	sld [smem:$0x3FFE];
	[sflag:s23] =	ssyncadd.s32 $0xFFFFFFFF  }
0xab: {  	s26 =	simm.s32 $execute0_lowered;
	[smem:$0x3FD2] =	sst s25  }
0xac: {  	s5 =	sshll.u32 s26, $0x1;
	_ =	strace $0x80000046;
	[dreg:$0x1] =	wrdreg $0xFFFFFFFF  }
0xad: {  	s28 =	simm.s32 $_size_execute0_lowered;
	s3 =	sadd.s32 s3, s5;
	[dreg:$0x0] =	wrdreg $0x0  }
0xae: {  	s5 =	sshll.u32 s28, $0x1;
	[dreg:$0x2] =	wrdreg s3  }
0xaf: {  	[dreg:$0x3] =	wrdreg s5  }
0xb0: {  	[dreg:$0x4] =	wrdreg $0xC0  }
0xb1: {  	_ =	task [dreg:s7], $0x5FFFF  }
0xb2: {  	[dreg:$0x1] =	wrdreg $0xFFFFFFFF  }
0xb3: {  	[dreg:$0x0] =	wrdreg $0x60  }
0xb4: {  	[dreg:$0x2] =	wrdreg s24  }
0xb5: {  	[dreg:$0x3] =	wrdreg s16  }
0xb6: {  	[dreg:$0x4] =	wrdreg $0x9  }
0xb7: {  	_ =	task.clear_ibuf [dreg:s7], $0x5FFFF;
	_ =	strace $0x90000046  }
0xb8: {  	s29 =	simm.s32 $0x9;
	_ =	strace $0x80000048  }
0xb9: {  	_ =	swait.ge [sflag:s29], $0x1  }
0xba: {  	[sflag:s29] =	ssyncadd.s32 $0xFFFFFFFF  }
0xbb: {  	_ =	strace $0x90000048  }
0xbc: {  	_ =	sfence  }
0xbd: {  	s30 =	sld [smem:$0x0];
	_ =	sdelay $0x2  }
0xbe: {  	s31 =	sshll.u32 s1, $0xD;
	s1 =	sshrl.u32 s1, $0x2  }
0xbf: {  	s3 =	sand.u32 $0x4000, s31;
	s1 =	sadd.s32 s1, s30  }
0xc0: {  	s0 =	sor.u32 s3, s0;
	s1 =	sshll.u32 s1, $0x11  }
0xc1: {  	s0 =	sor.u32 s1, s0  }
0xc2: {  	s0 =	sadd.s32 $0x8F2B, s0  }
0xc3: {  	[sflag:s0] =	ssyncadd.remote.s32 $0x1  }
0xc4: {  	_ =	sfence.sel $0xFFFF  }
0xc5: {  	[dreg:$0x0] =	wrdreg $0xFFFFFFFF;
	(pc) =	sbr.abs _section_cstart, $3  }
0xc6: {  	[dreg:$0x1] =	wrdreg $0xFFFFFFFF  }
0xc7: {  	_ =	task.clear_ibuf [dreg:s7], $0x2FFFF;
	_ =	strace $0x9FFFFFFF  }
0xc8: {  	(tm) =	ssettm $0x7FFFFFFF  }
0xc9: {  	_ =	shalt  }
tec
execute0_lowered:
.L_overlay_start_1:
0x0: {  	(tag) =	ssettag $0x1  }
0x1: {  	s1 =	srdreg.scid  }
0x2: {  	s0 =	stileid.u32;
	s5 =	rddreg [dreg:$0x0]  }
0x3: {  	s2 =	rddreg [dreg:$0x1];
	s3 =	simm.s32 $0x0;
	s9 =	simm.s32 $0x140  }
0x4: {  	s10 =	simm.s32 $0x6400;
	s11 =	simm.s32 $0xB400;
	s13 =	simm.s32 $0x10400  }
0x5: {  	s12 =	simm.s32 $0x3;
	s14 =	simm.s32 $0x5;
	s15 =	simm.s32 $0x6  }
0x6: {  	s16 =	simm.s32 $0x7;
	s6 =	sand.u32 $0x1, s1;
	s1 =	rddreg [dreg:$0x2]  }
0x7: {  	s17 =	simm.s32 $0x8;
	s18 =	simm.s32 $0x0;
	[smem:$0x7FF] =	sst s3  }
0x8: {  	s31 =	sshll.u32 s0, $0x1;
	_ =	strace $0x80000047;
	[dreg:$0x3] =	wrdreg s9  }
0x9: {  	s4 =	sor.u32 s6, s31;
	s6 =	ssub.s32 $0x2, s6;
	[dreg:$0x4] =	wrdreg s10  }
0xa: {  	s9 =	simm.s32 $0x15400;
	[dreg:$0x5] =	wrdreg s11;
	s4 =	smul.u32 $0x6400, s4  }
0xb: {  	s10 =	simm.s32 $0x1;
	s11 =	simm.s32 $0x2;
	[dreg:$0x6] =	wrdreg s13  }
0xc: {  	s13 =	simm.s32 $0x4;
	s8 =	sshrl.u32 s6, $0x1;
	s7 =	sshrl.u32 s4, $0x3  }
0xd: {  	s8 =	ssub.s32 s6, s8;
	s7 =	sadd.s32 s7, s5;
	s5 =	sadd.s32 $0x1000, s5  }
0xe: {  	s6 =	sadd.s32 $0xC9000, s7;
	s7 =	smax.u32 s8, $0x1;
	s8 =	simm.s32 $0x9  }
.LBB2_1:
0xf: {  	[tilespmem:s3], [sflag:$0x9] =	stream.linear.gather [hbm4b:s6+s3], $0x6400, $0x38;
	[tilespmem:$0x1A400] =	vst v63  }
0x10: {  	_ =	swait.ge [sflag:s8], $0x6400  }
0x11: {  	p0 =	por $0x0, $0x0;
	[sflag:s8] =	ssyncset.done $0x0  }
0x12: {  	s19 =	simm.s32 @p0 $0x5;
	[sflag:s8] =	ssyncadd.s32 $0xFFFF9C00  }
0x13: {  	_ =	swait.ge @p0 [sflag:s19], $0x5000  }
0x14: {  	s20 =	simm.s32 @p0 $0x0;
	s21 =	simm.s32 @p0 $0x140;
	[sflag:s19] =	ssyncset.done @p0 $0x0  }
0x15: {  	s22 =	simm.s32 @p0 $0x6;
	[sflag:s19] =	ssyncadd.s32 @p0 $0xFFFFB000;
	s19 =	simm.s32 @p0 $0x6400  }
0x16: {  	[tilespmem:s19], [sflag:$0x1] =	stream.indirect.gather @p0 [hbm4b:s5+s21], $0x40, s20, s21, $0xb8;
	[tilespmem:$0x1A400] =	vst v63  }
0x17: {  	_ =	swait.ge @p0 [sflag:s22], $0x5000  }
0x18: {  	s19 =	simm.s32 @p0 $0x140;
	[sflag:s22] =	ssyncset.done @p0 $0x0  }
0x19: {  	s20 =	simm.s32 @p0 $0xB400;
	[sflag:s22] =	ssyncadd.s32 @p0 $0xFFFFB000;
	s22 =	simm.s32 @p0 $0x7  }
0x1a: {  	[tilespmem:s20], [sflag:$0x2] =	stream.indirect.gather @p0 [hbm4b:s5+s21], $0x40, s19, s21, $0xb8;
	[tilespmem:$0x1A400] =	vst v63  }
0x1b: {  	_ =	swait.ge @p0 [sflag:s22], $0x5000  }
0x1c: {  	s23 =	simm.s32 @p0 $0x8;
	s19 =	simm.s32 $0x280;
	[sflag:s22] =	ssyncset.done @p0 $0x0  }
0x1d: {  	s20 =	simm.s32 @p0 $0x10400;
	[sflag:s22] =	ssyncadd.s32 @p0 $0xFFFFB000;
	s22 =	simm.s32 @!p0 $0x6400  }
0x1e: {  	[tilespmem:s20], [sflag:$0x3] =	stream.indirect.gather @p0 [hbm4b:s5+s21], $0x40, s19, s21, $0xb8;
	[tilespmem:$0x1A400] =	vst v63  }
0x1f: {  	s19 =	simm.s32 @p0 $0x0;
	s20 =	simm.s32 @!p0 $0x140;
	_ =	swait.ge @p0 [sflag:s23], $0x5000  }
0x20: {  	s21 =	simm.s32 @!p0 $0x0;
	s19 =	simm.s32 @!p0 $0x0;
	[sflag:s23] =	ssyncset.done @p0 $0x0  }
0x21: {  	s25 =	sadd.s32 $0x3C0, s19;
	s19 =	sadd.s32 s4, s19;
	[sflag:s23] =	ssyncadd.s32 @p0 $0xFFFFB000  }
0x22: {  	[tilespmem:s22], [sflag:$0x1] =	stream.indirect.gather @!p0 [hbm4b:s5+s20], $0x40, s21, s20, $0xb8;
	[tilespmem:$0x1A400] =	vst v63  }
0x23: {  	s24 =	rddreg [dreg:$0x3];
	s19 =	sshll.u32 s19, $0x3;
	s21 =	simm.s32 @!p0 $0xB400  }
0x24: {  	[tilespmem:s21], [sflag:$0x2] =	stream.indirect.gather @!p0 [hbm4b:s5+s20], $0x40, s20, s20, $0xb8;
	[tilespmem:$0x1A400] =	vst v63  }
0x25: {  	s22 =	simm.s32 @!p0 $0x10400;
	s19 =	sand.u32 $0x1FFFF800, s19;
	s21 =	simm.s32 @!p0 $0x280  }
0x26: {  	[tilespmem:s22], [sflag:$0x3] =	stream.indirect.gather @!p0 [hbm4b:s5+s20], $0x40, s21, s20, $0xb8;
	[tilespmem:$0x1A400] =	vst v63  }
0x27: {  	s19 =	sadd.s32 s2, s19;
	s22 =	simm.s32 @p0 $0x140;
	s20 =	sadd.s32 s4, s25  }
0x28: {  	[tilespmem:s9], [sflag:$0x4] =	stream.indirect.gather [hbm4b:s5+s24], $0x40, s25, s24, $0xb8;
	[tilespmem:$0x1A400] =	vst v63  }
0x29: {  	s21 =	simm.s32 $0xC80;
	s22 =	simm.s32 @!p0 $0x140;
	_ =	swait.ge [sflag:s10], $0x5000  }
0x2a: {  	s20 =	sshll.u32 s20, $0x3;
	s28 =	sadd.s32 s4, s22;
	[sflag:s10] =	ssyncset.done $0x0  }
0x2b: {  	s22 =	simm.s32 $0x280;
	s26 =	rddreg [dreg:$0x4];
	[sflag:s10] =	ssyncadd.s32 $0xFFFFB000  }
0x2c: {  	[hbm4b:s19+s3] =	stream.linear.scatter [tilespmem:s26], [sflag:$0x5], $0x5000, $0x38;
	[tilespmem:$0x1A400] =	vst v63  }
0x2d: {  	s22 =	simm.s32 @!p0 $0x280;
	s19 =	sshll.u32 s28, $0x3;
	_ =	swait.ge [sflag:s11], $0x5000  }
0x2e: {  	s30 =	sadd.s32 s4, s22;
	s19 =	sand.u32 $0x1FFFFA00, s19;
	[sflag:s11] =	ssyncset.done $0x0  }
0x2f: {  	s29 =	rddreg [dreg:$0x5];
	s19 =	sadd.s32 s2, s19;
	[sflag:s11] =	ssyncadd.s32 $0xFFFFB000  }
0x30: {  	[hbm4b:s19+s3] =	stream.linear.scatter [tilespmem:s29], [sflag:$0x6], $0x5000, $0x38;
	[tilespmem:$0x1A400] =	vst v63  }
0x31: {  	s20 =	sand.u32 $0x1FFFFE00, s20;
	s19 =	sshll.u32 s30, $0x3;
	_ =	swait.ge [sflag:s12], $0x5000  }
0x32: {  	p0 =	por $0x1, $0x1;
	s19 =	sand.u32 $0x1FFFFC00, s19;
	[sflag:s12] =	ssyncset.done $0x0  }
0x33: {  	s31 =	rddreg [dreg:$0x6];
	s19 =	sadd.s32 s2, s19;
	[sflag:s12] =	ssyncadd.s32 $0xFFFFB000  }
0x34: {  	[hbm4b:s19+s3] =	stream.linear.scatter [tilespmem:s31], [sflag:$0x7], $0x5000, $0x38;
	[tilespmem:$0x1A400] =	vst v63  }
0x35: {  	s23 =	sadd.s32 s2, s20;
	s20 =	simm.s32 $0x780;
	s19 =	simm.s32 $0x780  }
.LBB2_2:
0x36: {  	_ =	swait.ge [sflag:s13], $0x5000  }
0x37: {  	[sflag:s13] =	ssyncset.done $0x0  }
0x38: {  	s24 =	simm.s32 @p0 $0x5;
	[sflag:s13] =	ssyncadd.s32 $0xFFFFB000  }
0x39: {  	[hbm4b:s23+s3] =	stream.linear.scatter [tilespmem:s9], [sflag:$0x8], $0x5000, $0x38;
	[tilespmem:$0x1A400] =	vst v63  }
0x3a: {  	s26 =	sadd.s32 @p0 $0xFFFFFEC0, s19;
	_ =	swait.ge @p0 [sflag:s24], $0x5000  }
0x3b: {  	s29 =	simm.s32 @p0 $0x140;
	s30 =	simm.s32 @p0 $0x6;
	[sflag:s24] =	ssyncset.done @p0 $0x0  }
0x3c: {  	s23 =	sadd.s32 @p0 $0xFFFFFD80, s20;
	[sflag:s24] =	ssyncadd.s32 @p0 $0xFFFFB000;
	s24 =	simm.s32 @p0 $0x6400  }
0x3d: {  	[tilespmem:s24], [sflag:$0x1] =	stream.indirect.gather @p0 [hbm4b:s5+s29], $0x40, s23, s29, $0xb8;
	[tilespmem:$0x1A400] =	vst v63  }
0x3e: {  	s31 =	simm.s32 @p0 $0xB400;
	s26 =	simm.s32 @!p0 $0x140;
	_ =	swait.ge @p0 [sflag:s30], $0x5000  }
0x3f: {  	s26 =	sadd.s32 s4, s26;
	s24 =	sadd.s32 @p0 $0xFFFFFEC0, s20;
	[sflag:s30] =	ssyncset.done @p0 $0x0  }
0x40: {  	s23 =	sshll.u32 s26, $0x3;
	s26 =	simm.s32 @p0 $0x7;
	[sflag:s30] =	ssyncadd.s32 @p0 $0xFFFFB000  }
0x41: {  	[tilespmem:s31], [sflag:$0x2] =	stream.indirect.gather @p0 [hbm4b:s5+s29], $0x40, s24, s29, $0xb8;
	[tilespmem:$0x1A400] =	vst v63  }
0x42: {  	s22 =	sadd.s32 @p0 $0xFFFFFD80, s19;
	s19 =	simm.s32 @!p0 $0x280;
	_ =	swait.ge @p0 [sflag:s26], $0x5000  }
0x43: {  	s19 =	sadd.s32 s4, s19;
	[sflag:s26] =	ssyncset.done @p0 $0x0  }
0x44: {  	s30 =	simm.s32 @p0 $0x8;
	s24 =	simm.s32 @p0 $0x10400;
	[sflag:s26] =	ssyncadd.s32 @p0 $0xFFFFB000  }
0x45: {  	[tilespmem:s24], [sflag:$0x3] =	stream.indirect.gather @p0 [hbm4b:s5+s29], $0x40, s20, s29, $0xb8;
	[tilespmem:$0x1A400] =	vst v63  }
0x46: {  	s25 =	smov.u32 s21;
	s31 =	sshll.u32 s19, $0x3;
	_ =	swait.ge @p0 [sflag:s30], $0x5000  }
0x47: {  	s19 =	smov.u32 s25;
	s25 =	simm.s32 @!p0 $0x6400;
	[sflag:s30] =	ssyncset.done @p0 $0x0  }
0x48: {  	s26 =	simm.s32 @!p0 $0x0;
	s24 =	simm.s32 @!p0 $0x140;
	[sflag:s30] =	ssyncadd.s32 @p0 $0xFFFFB000  }
0x49: {  	[tilespmem:s25], [sflag:$0x1] =	stream.indirect.gather @!p0 [hbm4b:s5+s24], $0x40, s26, s24, $0xb8;
	[tilespmem:$0x1A400] =	vst v63  }
0x4a: {  	s22 =	simm.s32 @!p0 $0x0;
	s25 =	simm.s32 @!p0 $0xB400  }
0x4b: {  	[tilespmem:s25], [sflag:$0x2] =	stream.indirect.gather @!p0 [hbm4b:s5+s24], $0x40, s24, s24, $0xb8;
	[tilespmem:$0x1A400] =	vst v63  }
0x4c: {  	s28 =	sadd.s32 s4, s22;
	s30 =	simm.s32 @!p0 $0x10400;
	s26 =	simm.s32 @!p0 $0x280  }
0x4d: {  	[tilespmem:s30], [sflag:$0x3] =	stream.indirect.gather @!p0 [hbm4b:s5+s24], $0x40, s26, s24, $0xb8;
	[tilespmem:$0x1A400] =	vst v63  }
0x4e: {  	s22 =	sadd.s32 $0x3C0, s22;
	s29 =	sand.u32 $0x1FFFFC00, s31;
	s31 =	rddreg [dreg:$0x3]  }
0x4f: {  	[tilespmem:s9], [sflag:$0x4] =	stream.indirect.gather [hbm4b:s5+s31], $0x40, s22, s31, $0xb8;
	[tilespmem:$0x1A400] =	vst v63  }
0x50: {  	s28 =	sshll.u32 s28, $0x3;
	_ =	swait.ge [sflag:s10], $0x5000  }
0x51: {  	s28 =	sand.u32 $0x1FFFF800, s28;
	[sflag:s10] =	ssyncset.done $0x0  }
0x52: {  	s26 =	sadd.s32 s2, s28;
	s25 =	rddreg [dreg:$0x4];
	[sflag:s10] =	ssyncadd.s32 $0xFFFFB000  }
0x53: {  	[hbm4b:s26+s3] =	stream.linear.scatter [tilespmem:s25], [sflag:$0x5], $0x5000, $0x38;
	[tilespmem:$0x1A400] =	vst v63  }
0x54: {  	s21 =	sadd.s32 $0x500, s21;
	_ =	swait.ge [sflag:s11], $0x5000  }
0x55: {  	p1 =	sne.s32 s21, $0x6680;
	s23 =	sand.u32 $0x1FFFFA00, s23;
	[sflag:s11] =	ssyncset.done $0x0  }
0x56: {  	s23 =	sadd.s32 s2, s23;
	s28 =	rddreg [dreg:$0x5];
	[sflag:s11] =	ssyncadd.s32 $0xFFFFB000  }
0x57: {  	[hbm4b:s23+s3] =	stream.linear.scatter [tilespmem:s28], [sflag:$0x6], $0x5000, $0x38;
	[tilespmem:$0x1A400] =	vst v63  }
.Ltmp0:
0x58: {  	s20 =	sadd.s32 $0x500, s20;
	s22 =	sadd.s32 s4, s22;
	(pc) =	sbr.rel @p1 .LBB2_2-.Ltmp0, $4  }
0x59: {  	p0 =	sne.s32 s19, $0x280;
	s22 =	sshll.u32 s22, $0x3;
	_ =	swait.ge [sflag:s12], $0x5000  }
0x5a: {  	s31 =	sadd.s32 s2, s29;
	s22 =	sand.u32 $0x1FFFFE00, s22;
	[sflag:s12] =	ssyncset.done $0x0  }
0x5b: {  	s23 =	sadd.s32 s2, s22;
	s30 =	rddreg [dreg:$0x6];
	[sflag:s12] =	ssyncadd.s32 $0xFFFFB000  }
0x5c: {  	[hbm4b:s31+s3] =	stream.linear.scatter [tilespmem:s30], [sflag:$0x7], $0x5000, $0x38;
	[tilespmem:$0x1A400] =	vst v63  }
0x5d: {  	_ =	swait.ge [sflag:s13], $0x5000  }
0x5e: {  	[sflag:s13] =	ssyncset.done $0x0  }
0x5f: {  	s21 =	simm.s32 @p0 $0x5;
	[sflag:s13] =	ssyncadd.s32 $0xFFFFB000  }
0x60: {  	[hbm4b:s23+s3] =	stream.linear.scatter [tilespmem:s9], [sflag:$0x8], $0x5000, $0x38;
	[tilespmem:$0x1A400] =	vst v63  }
0x61: {  	_ =	swait.ge @p0 [sflag:s21], $0x5000  }
0x62: {  	s22 =	sadd.s32 @p0 $0xFFFFFD80, s20;
	s24 =	simm.s32 @p0 $0x6;
	[sflag:s21] =	ssyncset.done @p0 $0x0  }
0x63: {  	s23 =	simm.s32 @p0 $0x140;
	[sflag:s21] =	ssyncadd.s32 @p0 $0xFFFFB000;
	s21 =	simm.s32 @p0 $0x6400  }
0x64: {  	[tilespmem:s21], [sflag:$0x1] =	stream.indirect.gather @p0 [hbm4b:s5+s23], $0x40, s22, s23, $0xb8;
	[tilespmem:$0x1A400] =	vst v63  }
0x65: {  	_ =	swait.ge @p0 [sflag:s24], $0x5000  }
0x66: {  	s21 =	sadd.s32 @p0 $0xFFFFFEC0, s20;
	[sflag:s24] =	ssyncset.done @p0 $0x0  }
0x67: {  	s22 =	simm.s32 @p0 $0xB400;
	[sflag:s24] =	ssyncadd.s32 @p0 $0xFFFFB000;
	s24 =	simm.s32 @p0 $0x7  }
0x68: {  	[tilespmem:s22], [sflag:$0x2] =	stream.indirect.gather @p0 [hbm4b:s5+s23], $0x40, s21, s23, $0xb8;
	[tilespmem:$0x1A400] =	vst v63  }
0x69: {  	_ =	swait.ge @p0 [sflag:s24], $0x5000  }
0x6a: {  	[sflag:s24] =	ssyncset.done @p0 $0x0  }
0x6b: {  	s21 =	simm.s32 @p0 $0x10400;
	s22 =	simm.s32 @p0 $0x8;
	[sflag:s24] =	ssyncadd.s32 @p0 $0xFFFFB000  }
0x6c: {  	[tilespmem:s21], [sflag:$0x3] =	stream.indirect.gather @p0 [hbm4b:s5+s23], $0x40, s20, s23, $0xb8;
	[tilespmem:$0x1A400] =	vst v63  }
0x6d: {  	s20 =	sadd.s32 @p0 $0xFFFFFD80, s19;
	_ =	swait.ge @p0 [sflag:s22], $0x5000  }
0x6e: {  	s21 =	simm.s32 @!p0 $0x140;
	s23 =	simm.s32 @!p0 $0x0;
	[sflag:s22] =	ssyncset.done @p0 $0x0  }
0x6f: {  	s20 =	simm.s32 @!p0 $0x0;
	[sflag:s22] =	ssyncadd.s32 @p0 $0xFFFFB000;
	s22 =	simm.s32 @!p0 $0x6400  }
0x70: {  	[tilespmem:s22], [sflag:$0x1] =	stream.indirect.gather @!p0 [hbm4b:s5+s21], $0x40, s23, s21, $0xb8;
	[tilespmem:$0x1A400] =	vst v63  }
0x71: {  	s25 =	sadd.s32 $0x3C0, s20;
	s22 =	simm.s32 @!p0 $0xB400  }
0x72: {  	[tilespmem:s22], [sflag:$0x2] =	stream.indirect.gather @!p0 [hbm4b:s5+s21], $0x40, s21, s21, $0xb8;
	[tilespmem:$0x1A400] =	vst v63  }
0x73: {  	s20 =	sadd.s32 s4, s20;
	s23 =	simm.s32 @!p0 $0x10400;
	s22 =	simm.s32 @!p0 $0x280  }
0x74: {  	[tilespmem:s23], [sflag:$0x3] =	stream.indirect.gather @!p0 [hbm4b:s5+s21], $0x40, s22, s21, $0xb8;
	[tilespmem:$0x1A400] =	vst v63  }
0x75: {  	s31 =	rddreg [dreg:$0x3];
	s20 =	sshll.u32 s20, $0x3  }
0x76: {  	[tilespmem:s9], [sflag:$0x4] =	stream.indirect.gather [hbm4b:s5+s31], $0x40, s25, s31, $0xb8;
	[tilespmem:$0x1A400] =	vst v63  }
0x77: {  	s20 =	sand.u32 $0x1FFFF800, s20;
	s23 =	sadd.s32 @p0 $0xFFFFFEC0, s19;
	_ =	swait.ge [sflag:s10], $0x5000  }
0x78: {  	s20 =	sadd.s32 s2, s20;
	s23 =	simm.s32 @!p0 $0x140;
	[sflag:s10] =	ssyncset.done $0x0  }
0x79: {  	s28 =	sadd.s32 s4, s23;
	s26 =	rddreg [dreg:$0x4];
	[sflag:s10] =	ssyncadd.s32 $0xFFFFB000  }
0x7a: {  	[hbm4b:s20+s3] =	stream.linear.scatter [tilespmem:s26], [sflag:$0x5], $0x5000, $0x38;
	[tilespmem:$0x1A400] =	vst v63  }
0x7b: {  	s19 =	simm.s32 @!p0 $0x280;
	s20 =	sshll.u32 s28, $0x3;
	_ =	swait.ge [sflag:s11], $0x5000  }
0x7c: {  	s19 =	sadd.s32 s4, s19;
	s20 =	sand.u32 $0x1FFFFA00, s20;
	[sflag:s11] =	ssyncset.done $0x0  }
0x7d: {  	s29 =	rddreg [dreg:$0x5];
	s20 =	sadd.s32 s2, s20;
	[sflag:s11] =	ssyncadd.s32 $0xFFFFB000  }
0x7e: {  	[hbm4b:s20+s3] =	stream.linear.scatter [tilespmem:s29], [sflag:$0x6], $0x5000, $0x38;
	[tilespmem:$0x1A400] =	vst v63  }
0x7f: {  	s19 =	sshll.u32 s19, $0x3;
	_ =	swait.ge [sflag:s12], $0x5000  }
0x80: {  	s21 =	sadd.s32 s4, s25;
	s19 =	sand.u32 $0x1FFFFC00, s19;
	[sflag:s12] =	ssyncset.done $0x0  }
0x81: {  	s19 =	sadd.s32 s2, s19;
	s30 =	rddreg [dreg:$0x6];
	[sflag:s12] =	ssyncadd.s32 $0xFFFFB000  }
0x82: {  	[hbm4b:s19+s3] =	stream.linear.scatter [tilespmem:s30], [sflag:$0x7], $0x5000, $0x38;
	[tilespmem:$0x1A400] =	vst v63  }
0x83: {  	s31 =	sshll.u32 s21, $0x3;
	_ =	swait.ge [sflag:s13], $0x5000  }
0x84: {  	s19 =	sand.u32 $0x1FFFFE00, s31;
	[sflag:s13] =	ssyncset.done $0x0  }
0x85: {  	s19 =	sadd.s32 s2, s19;
	[sflag:s13] =	ssyncadd.s32 $0xFFFFB000  }
0x86: {  	[hbm4b:s19+s3] =	stream.linear.scatter [tilespmem:s9], [sflag:$0x8], $0x5000, $0x38;
	[tilespmem:$0x1A400] =	vst v63  }
0x87: {  	_ =	swait.ge [sflag:s14], $0x5000  }
0x88: {  	[sflag:s14] =	ssyncset.done $0x0  }
0x89: {  	[sflag:s14] =	ssyncadd.s32 $0xFFFFB000  }
0x8a: {  	_ =	swait.ge [sflag:s15], $0x5000  }
0x8b: {  	[sflag:s15] =	ssyncset.done $0x0  }
0x8c: {  	s18 =	sadd.s32 $0x1, s18;
	[sflag:s15] =	ssyncadd.s32 $0xFFFFB000  }
0x8d: {  	p0 =	sne.s32 s18, s7;
	_ =	swait.ge [sflag:s16], $0x5000  }
.Ltmp1:
0x8e: {  	[sflag:s16] =	ssyncset.done $0x0;
	(pc) =	sbr.rel @p0 .LBB2_1-.Ltmp1, $4  }
0x8f: {  	[sflag:s16] =	ssyncadd.s32 $0xFFFFB000  }
0x90: {  	_ =	swait.ge [sflag:s17], $0x5000  }
0x91: {  	[sflag:s17] =	ssyncset.done $0x0  }
0x92: {  	[sflag:s17] =	ssyncadd.s32 $0xFFFFB000  }
0x93: {  	_ =	sfence.sel $0x180000  }
0x94: {  	[bflag:$0x0] =	sbarrier.arrive $0xFFFF  }
0x95: {  	p0 =	sne.s32 s0, $0x0;
	_ =	strace $0x90000047  }
0x96: {  	s0 =	sadd.s32 @!p0 $0x100000, s1;
	[bflag:$0x2] =	sbarrier.arrive $0xFFFF  }
0x97: {  	[sflag:s0] =	ssyncadd.tile.s32 @!p0 $0x1;
	_ =	shalt  }
.Lfunc_end2:
_tile_overlayer_lowered:
.L_overlay_start_2:
0x98: {  	(tag) =	ssettag $0x2  }
0x99: {  	s0 =	rddreg [dreg:$0x0];
	s2 =	stileid.u32  }
0x9a: {  	s1 =	rddreg [dreg:$0x1];
	p0 =	sne.s32 s2, $0x0  }
0x9b: {  	s3 =	rddreg [dreg:$0x2];
	[bflag:$0x3] =	sbarrier.arrive $0xFFFF;
	s2 =	simm.s32 @!p0 $0x1C09  }
0x9c: {  	[timem:s3], [sflag:s2] =	dma.local @!p0 [hbm:s0], s1  }
0x9d: {  	s0 =	simm.s32 @!p0 $0x9  }
0x9e: {  	_ =	swait.ge @!p0 [sflag:s0], s1  }
0x9f: {  	s1 =	ssub.s32 @!p0 $0x0, s1;
	[sflag:s0] =	ssyncset.done @!p0 $0x0  }
0xa0: {  	[sflag:s0] =	ssyncadd.s32 @!p0 s1  }
0xa1: {  	[bflag:$0x3] =	sbarrier.arrive $0xFFFF  }
0xa2: {  	_ =	shalt  }

// kernel: sparse-core-data-format-call.cloned.1.call-start
scs
called_computation_lowered:
.L_overlay_start_0:
0x0: {  	s2 =	sld [smem:$0x3FD9]  }
0x1: {  	s3 =	sld [smem:$0x3FFE];
	_ =	sdelay $0x1  }
0x2: {  	s1 =	srdreg.scid  }
0x3: {  	s0 =	sand.u32 $0x1, s1  }
0x4: {  	s15 =	sshll.u32 s0, $0xA;
	s2 =	sadd.s32 s3, s2  }
0x5: {  	s2 =	sadd.s32 s2, s15  }
0x6: {  	[smem:$0x3FC3] =	sst s2  }
0x7: {  	_ = 	snop  }
0x8: {  	s2 =	sld [smem:$0x3FD0];
	_ =	sdelay $0x2  }
0x9: {  	s16 =	simm.s32 $0xA;
	s4 =	simm.s32 $0x10  }
0xa: {  	[smem:s4], [sflag:s16] =	dma.local [hbm:s2], $0x1  }
0xb: {  	_ =	swait.eq [sflag:s16], $0x1  }
0xc: {  	[sflag:s16] =	ssyncset.done $0x0  }
0xd: {  	[sflag:s16] =	ssyncadd.s32 $0xFFFFFFFF  }
0xe: {  	s17 =	sld [smem:$0x10];
	(tm) =	ssettm $0x1  }
0xf: {  	s18 =	sld [smem:$0x3FFB];
	_ =	sdelay $0x3  }
0x10: {  	_ =	strace s18  }
0x11: {  	s3 =	sld [smem:$0x3FFC];
	_ =	sdelay $0x3  }
0x12: {  	_ =	strace s3  }
0x13: {  	s3 =	sld [smem:$0x3FFD];
	_ =	sdelay $0x3  }
0x14: {  	_ =	strace s3  }
0x15: {  	_ =	strace $0x8FFFFFFF  }
0x16: {  	s19 =	sld [smem:$0x3FDB];
	_ =	sdelay $0x1  }
0x17: {  	s20 =	simm.s32 $_scs_section_size  }
0x18: {  	s5 =	simm.s32 $_size__tile_overlayer_lowered;
	s6 =	simm.s32 $_tile_overlayer_lowered  }
0x19: {  	s23 =	simm.s32 $0x1BFF;
	s22 =	sshll.u32 s6, $0x1;
	s3 =	sadd.s32 s20, s19  }
0x1a: {  	s7 =	simm.s32 $0x0;
	s21 =	sshll.u32 s5, $0x1;
	s5 =	sadd.s32 s22, s3  }
0x1b: {  	[timem:s7], [sflag:s23] =	dma.local [hbm:s5], s21  }
0x1c: {  	_ =	swait.ge [sflag:s23], s21  }
0x1d: {  	s4 =	ssub.s32 $0x0, s21;
	[sflag:s23] =	ssyncset.done $0x0  }
0x1e: {  	[sflag:s23] =	ssyncadd.s32 s4;
	_ =	sdelay $0x1  }
0x1f: {  	s24 =	simm.s32 $0x1B8B  }
0x20: {  	_ =	swait.ge [sflag:s24], $0x1  }
0x21: {  	[sflag:s24] =	ssyncset.done $0x0  }
0x22: {  	s26 =	simm.s32 $0x1B8E;
	s25 =	sld [smem:$0x3FFE];
	[sflag:s24] =	ssyncadd.s32 $0xFFFFFFFF  }
0x23: {  	s27 =	simm.s32 $execute0_lowered;
	[smem:$0x3FD2] =	sst s26  }
0x24: {  	s5 =	sshll.u32 s27, $0x1;
	_ =	strace $0x80000049;
	[dreg:$0x1] =	wrdreg $0xFFFFFFFF  }
0x25: {  	s28 =	simm.s32 $_size_execute0_lowered;
	s3 =	sadd.s32 s3, s5;
	[dreg:$0x0] =	wrdreg $0x0  }
0x26: {  	s5 =	sshll.u32 s28, $0x1;
	[dreg:$0x2] =	wrdreg s3  }
0x27: {  	[dreg:$0x3] =	wrdreg s5  }
0x28: {  	[dreg:$0x4] =	wrdreg $0xC0  }
0x29: {  	_ =	task [dreg:s7], $0x5FFFF  }
0x2a: {  	[dreg:$0x1] =	wrdreg $0xFFFFFFFF  }
0x2b: {  	[dreg:$0x0] =	wrdreg $0x60  }
0x2c: {  	[dreg:$0x2] =	wrdreg s25  }
0x2d: {  	[dreg:$0x3] =	wrdreg s17  }
0x2e: {  	[dreg:$0x4] =	wrdreg $0x9  }
0x2f: {  	_ =	task.clear_ibuf [dreg:s7], $0x5FFFF;
	_ =	strace $0x90000049  }
0x30: {  	s29 =	simm.s32 $0x9;
	_ =	strace $0x8000004B  }
0x31: {  	_ =	swait.ge [sflag:s29], $0x1  }
0x32: {  	[sflag:s29] =	ssyncadd.s32 $0xFFFFFFFF  }
0x33: {  	_ =	strace $0x9000004B  }
0x34: {  	_ =	sfence  }
0x35: {  	s30 =	sld [smem:$0x0];
	_ =	sdelay $0x2  }
0x36: {  	s31 =	sshll.u32 s1, $0xD;
	s1 =	sshrl.u32 s1, $0x2  }
0x37: {  	s3 =	sand.u32 $0x4000, s31;
	s1 =	sadd.s32 s1, s30  }
0x38: {  	s0 =	sor.u32 s3, s0;
	s1 =	sshll.u32 s1, $0x11  }
0x39: {  	s0 =	sor.u32 s1, s0  }
0x3a: {  	s0 =	sadd.s32 $0x8F2B, s0  }
0x3b: {  	[sflag:s0] =	ssyncadd.remote.s32 $0x1  }
0x3c: {  	_ =	sfence.sel $0xFFFF  }
0x3d: {  	[dreg:$0x0] =	wrdreg $0xFFFFFFFF;
	(pc) =	sbr.abs _section_cstart, $3  }
0x3e: {  	[dreg:$0x1] =	wrdreg $0xFFFFFFFF  }
0x3f: {  	_ =	task.clear_ibuf [dreg:s7], $0x2FFFF;
	_ =	strace $0x9FFFFFFF  }
0x40: {  	(tm) =	ssettm $0x7FFFFFFF  }
0x41: {  	_ =	shalt  }
tec
execute0_lowered:
.L_overlay_start_1:
0x0: {  	(tag) =	ssettag $0x1  }
0x1: {  	s0 =	srdreg.scid  }
0x2: {  	s1 =	sshll.u32 s0, $0x4  }
0x3: {  	s0 =	stileid.u32;
	s1 =	sand.u32 $0x10, s1  }
0x4: {  	s1 =	sor.u32 s0, s1  }
0x5: {  	s6 =	rddreg [dreg:$0x0];
	s4 =	simm.s32 $0x1;
	s2 =	sshll.u32 s1, $0x7  }
0x6: {  	s7 =	simm.s32 $0x2;
	s12 =	simm.s32 $0x0;
	s1 =	ssub.s32 $0x1000, s2  }
0x7: {  	s8 =	simm.s32 $0x8000;
	s13 =	simm.s32 $0x0;
	s3 =	sand.u32 $0xF80, s1  }
0x8: {  	s9 =	simm.s32 $0x0;
	s5 =	sshrl.u32 s1, $0xC;
	p0 =	sne.s32 s3, $0x0  }
.Ltmp0:
0x9: {  	s1 =	rddreg [dreg:$0x2];
	s4 =	simm.s32 @!p0 $0x0;
	(pc) =	sbr.rel .LBB1_1-.Ltmp0, $4  }
0xa: {  	s11 =	simm.s32 $0x0;
	s3 =	rddreg [dreg:$0x1];
	s5 =	sadd.s32 s4, s5  }
0xb: {  	_ =	strace $0x8000004A;
	s4 =	simm.s32 $0x1;
	s5 =	smul.u32 $0xC8, s5  }
0xc: {  	s6 =	sadd.s32 $0x1000, s6;
	s10 =	smov.u32 s2;
	[sflag:s4] =	ssyncpa.u1 $0x0  }
0xd: {  	p0 =	por $0x0, $0x0;
	[sflag:s7] =	ssyncpa.u1 $0x0;
	s7 =	sor.u32 $0x1, s5  }
.LBB1_4:
0xe: {  	s16 =	sshll.u32 s13, $0x3;
	s17 =	sand.u32 $0x78, s13  }
0xf: {  	s30 =	sand.u32 $0x7E00, s13;
	s12 =	sshll.u32 s12, $0xF;
	s16 =	sand.u32 $0xC00, s16  }
0x10: {  	[tilespmem:s15+$0x810 ss:$0x81] =	vst.msk $0xffff, v2;
	s31 =	sand.u32 $0x7, s13;
	s16 =	sor.u32 s17, s16;
	s17 =	sadd.s32 s3, s30  }
0x11: {  	[tilespmem:s15+$0x1020 ss:$0x81] =	vst.msk $0xffff, v0;
	s13 =	sshll.u32 s31, $0x12;
	s12 =	sadd.s32 s12, s17;
	s16 =	sshrl.u32 s16, $0x3  }
0x12: {  	[tilespmem:s15+$0x0 ss:$0x81] =	vst.msk $0xffff, v1;
	s13 =	sor.u32 $0x400, s13;
	s12 =	sadd.s32 s16, s12  }
0x13: {  	[hbm4b:s12+s13] =	stream.strided.scatter [tilespmem:s14], [sflag:$0x2], $0x2000, s8, s13, $0x20;
	[tilespmem:$0x8080] =	vst v63  }
.LBB1_5:
0x14: {  	s14 =	sadd.s32 $0x1, s9  }
0x15: {  	s12 =	sadd.s32 $0x1000, s10;
	s16 =	smov.u32 s10;
	p2 =	sgt.s32 s14, $0xC7  }
0x16: {  	s16 =	smov.u32 @p2 s12  }
0x17: {  	s14 =	simm.s32 @p2 $0x0;
	p2 =	sgt.s32 s16, $0xFFF  }
0x18: {  	s16 =	smov.u32 @p2 s2;
	p2 =	sne.s32 s11, s7  }
.Ltmp1:
0x19: {  	p1 =	slt.u32 s11, $0x2;
	(pc) =	sbr.rel @!p2 .LBB1_6-.Ltmp1, $4  }
0x1a: {  	s15 =	simm.s32 @!p1 $0x2  }
0x1b: {  	s13 =	smov.u32 s10;
	p0 =	por !p0, !p0;
	_ =	swait.ge @!p1 [sflag:s15], $0x2000  }
0x1c: {  	s12 =	smov.u32 s9;
	[sflag:s15] =	ssyncset.done @!p1 $0x0;
	s9 =	smov.u32 s14  }
0x1d: {  	s11 =	sadd.s32 $0x1, s11;
	[sflag:s15] =	ssyncadd.s32 @!p1 $0xFFFFE000;
	s10 =	smov.u32 s16  }
.LBB1_1:
0x1e: {  	p1 =	sge.u32 s11, s5  }
0x1f: {  	s14 =	sand.u32 @!p1 $0x1FFFFFF, s9  }
0x20: {  	s15 =	smulhi.u32 @!p1 $0x147AE15, s14;
	_ =	sdelay $0x1  }
0x21: {  	s15 =	smul.u32 @!p1 $0xC8, s15  }
0x22: {  	s16 =	sxor.u32 @!p1 $0xFFFFFFFF, s11;
	s17 =	smul.u32 @!p1 $0xC80, s10  }
0x23: {  	s31 =	sadd.s32 $0xFFFFFFFF, s11;
	s16 =	sshll.u32 @!p1 s16, $0xD;
	s14 =	ssub.s32 @!p1 s14, s15  }
0x24: {  	s15 =	sand.u32 @!p1 $0x2000, s16;
	s16 =	sadd.s32 @!p1 s6, s17;
	s14 =	sshll.u32 @!p1 s14, $0x4  }
0x25: {  	s17 =	simm.s32 @!p1 $0x6400;
	s14 =	sadd.s32 @!p1 s14, s16;
	s16 =	simm.s32 @!p1 $0x40  }
0x26: {  	[tilespmem:s15], [sflag:$0x1] =	stream.strided.gather @!p1 [hbm4b:s14+s16], $0x2000, s17, s16, $0x38;
	[tilespmem:$0x8080] =	vst v63  }
0x27: {  	p1 =	sge.u32 s31, s5  }
.Ltmp2:
0x28: {  	_ = 	snop;
	(pc) =	sbr.rel @p1 .LBB1_5-.Ltmp2, $1  }
0x29: {  	_ =	sdelay $0x3  }
0x2a: {  	s14 =	simm.s32 $0x1  }
0x2b: {  	_ =	swait.ge [sflag:s4], $0x2000;
	s14 =	simm.s32 @!p0 $0x0  }
0x2c: {  	[sflag:s4] =	ssyncset.done $0x0;
	s15 =	sshll.u32 s14, $0xD  }
0x2d: {  	[sflag:s4] =	ssyncadd.s32 $0xFFFFE000;
	s18 =	sor.u32 $0x20, s15  }
0x2e: {  	s14 =	smul.u32 $0x8100, s14;
	v3 =	vld [tilespmem:s18+$0x10]  }
0x2f: {  	s30 =	sand.u32 $0x1, s11;
	v2 =	vld [tilespmem:s18+$0xFFFFFFF0]  }
0x30: {  	s15 =	smul.u32 $0x8100, s30;
	s14 =	sshrl.u32 s14, $0x2;
	v0 =	vld [tilespmem:s18+$0x0]  }
0x31: {  	v1 =	vld [tilespmem:s18+$0xFFFFFFE0];
	s16 =	sor.u32 $0x4000, s14  }
0x32: {  	s31 =	sshrl.u32 s15, $0x2;
	s15 =	sadd.s32 $0x0, s16  }
0x33: {  	s17 =	simm.s32 $0x4;
	s18 =	sadd.s32 $0x40, s18;
	s14 =	sor.u32 $0x4000, s31;
	[tilespmem:s15+$0x1830 ss:$0x81] =	vst.msk $0xffff, v3  }
.LBB1_3:
0x34: {  	v3 =	vld [tilespmem:s18+$0x10];
	p1 =	sne.s32 s17, $0x1FC;
	[tilespmem:s15+$0x810 ss:$0x81] =	vst.msk $0xffff, v2;
	s19 =	smov.u32 s17;
	s17 =	sadd.s32 $0x4, s17  }
.Ltmp3:
0x35: {  	v2 =	vld [tilespmem:s18+$0xFFFFFFF0];
	[tilespmem:s15+$0x1020 ss:$0x81] =	vst.msk $0xffff, v0;
	(pc) =	sbr.rel @p1 .LBB1_3-.Ltmp3, $4  }
0x36: {  	v0 =	vld [tilespmem:s18+$0x0];
	[tilespmem:s15+$0x0 ss:$0x81] =	vst.msk $0xffff, v1  }
0x37: {  	s15 =	sshra.s32 s19, $0x2;
	v1 =	vld [tilespmem:s18+$0xFFFFFFE0]  }
0x38: {  	s15 =	sadd.s32 s15, s16  }
0x39: {  	s18 =	sadd.s32 $0x40, s18;
	[tilespmem:s15+$0x1830 ss:$0x81] =	vst.msk $0xffff, v3  }
.Ltmp4:
0x3a: {  	_ = 	snop;
	(pc) =	sbr.rel .LBB1_4-.Ltmp4, $1  }
0x3b: {  	_ =	sdelay $0x3  }
.LBB1_6:
0x3c: {  	_ =	sfence.sel $0x180000  }
0x3d: {  	s2 =	simm.s32 $0x1;
	[bflag:$0x0] =	sbarrier.arrive $0xFFFF  }
0x3e: {  	s31 =	simm.s32 $0x2;
	[sflag:s2] =	ssyncpa.u1 $0x1  }
0x3f: {  	[sflag:s31] =	ssyncpa.u1 $0x1  }
0x40: {  	p0 =	sne.s32 s0, $0x0;
	_ =	strace $0x9000004A  }
0x41: {  	s0 =	sadd.s32 @!p0 $0x100000, s1;
	[bflag:$0x2] =	sbarrier.arrive $0xFFFF  }
0x42: {  	[sflag:s0] =	ssyncadd.tile.s32 @!p0 $0x1;
	_ =	shalt  }
.Lfunc_end1:
_tile_overlayer_lowered:
.L_overlay_start_2:
0x43: {  	(tag) =	ssettag $0x2  }
0x44: {  	s0 =	rddreg [dreg:$0x0];
	s2 =	stileid.u32  }
0x45: {  	s1 =	rddreg [dreg:$0x1];
	p0 =	sne.s32 s2, $0x0  }
0x46: {  	s3 =	rddreg [dreg:$0x2];
	[bflag:$0x3] =	sbarrier.arrive $0xFFFF;
	s2 =	simm.s32 @!p0 $0x1C01  }
0x47: {  	[timem:s3], [sflag:s2] =	dma.local @!p0 [hbm:s0], s1  }
0x48: {  	s0 =	simm.s32 @!p0 $0x1  }
0x49: {  	_ =	swait.ge @!p0 [sflag:s0], s1  }
0x4a: {  	s1 =	ssub.s32 @!p0 $0x0, s1;
	[sflag:s0] =	ssyncset.done @!p0 $0x0  }
0x4b: {  	[sflag:s0] =	ssyncadd.s32 @!p0 s1  }
0x4c: {  	[bflag:$0x3] =	sbarrier.arrive $0xFFFF  }
0x4d: {  	_ =	shalt  }

</sc_bundles>
